<compile_context>
chip_gen: v7x
topology: tpu7x:2x2x1
jax: 0.10.2.dev20260603
libtpu: 0.0.44.dev20260713+nightly
codegen_flags: <defaults>
</compile_context>

<pallas_src>
import functools

import jax
import jax.numpy as jnp
from jax import lax
from jax.experimental import pallas as pl
from jax.experimental.pallas import tpu as pltpu
from jax.experimental.pallas import tpu_sc as plsc

N = 10000
D = 128
E = 320000

NC = 2
NS = 16
CH = 128
K = 160
KBI = 40
NB = K // KBI
EPT = K * CH
EP = EPT * NS
NP = 10240
ROWS_PT = NP // NS

_mesh = plsc.VectorSubcoreMesh(core_axis_name="c", subcore_axis_name="s")


@functools.partial(
    pl.kernel,
    out_type=[
        jax.ShapeDtypeStruct((NS, NP), jnp.float32),
        jax.ShapeDtypeStruct((NS, NP), jnp.float32),
    ],
    mesh=_mesh,
    scratch_types=[
        pltpu.VMEM((EPT,), jnp.int32),
        pltpu.VMEM((NP,), jnp.float32),
    ],
    compiler_params=pltpu.CompilerParams(needs_layout_passes=False),
)
def _deg_kernel(dst0, dst1, degp0, degp1, dst_v, deg_v):
    cid = lax.axis_index("c")
    sid = lax.axis_index("s")
    zeros16 = jnp.zeros((16,), jnp.float32)
    ones16 = jnp.ones((16,), jnp.float32)

    @pl.loop(0, NP // 16)
    def _(i):
        deg_v[pl.ds(i * 16, 16)] = zeros16

    def work(dstb, degpb):
        pltpu.sync_copy(dstb.at[sid], dst_v)

        @pl.loop(0, EPT // 16)
        def _(i):
            idx = dst_v[pl.ds(i * 16, 16)]
            plsc.addupdate_scatter(deg_v, [idx], ones16)

        pltpu.sync_copy(deg_v, degpb.at[sid])

    @pl.when(cid == 0)
    def _():
        work(dst0, degp0)

    @pl.when(cid == 1)
    def _():
        work(dst1, degp1)


@functools.partial(
    pl.kernel,
    out_type=[
        jax.ShapeDtypeStruct((NP, D), jnp.float32),
        jax.ShapeDtypeStruct((NP, D), jnp.float32),
    ],
    mesh=_mesh,
    scratch_types=[
        pltpu.VMEM((KBI, CH), jnp.int32),
        pltpu.VMEM((KBI, CH), jnp.int32),
        pltpu.VMEM((CH, D), jnp.float32),
        pltpu.VMEM((CH, D), jnp.float32),
        pltpu.VMEM_SHARED((NP, D), jnp.float32),
        pltpu.SemaphoreType.DMA,
        pltpu.SemaphoreType.DMA,
    ],
    compiler_params=pltpu.CompilerParams(needs_layout_passes=False),
)
def _prop_kernel(y0, y1, src0, dst0, src1, dst1, zr, z0, z1,
                 src_v, dst_v, rows0_v, rows1_v, agg, sem0, sem1):
    cid = lax.axis_index("c")
    sid = lax.axis_index("s")

    pltpu.sync_copy(zr.at[pl.ds(sid * ROWS_PT, ROWS_PT)],
                    agg.at[pl.ds(sid * ROWS_PT, ROWS_PT)])
    plsc.subcore_barrier()

    def work(yb, srcb, dstb, zb):
        @pl.loop(0, NB)
        def _(i):
            pltpu.sync_copy(srcb.at[sid, pl.ds(i * KBI, KBI)], src_v)
            pltpu.sync_copy(dstb.at[sid, pl.ds(i * KBI, KBI)], dst_v)
            g0 = pltpu.async_copy(yb.at[src_v.at[0]], rows0_v, sem0)
            g1 = pltpu.async_copy(yb.at[src_v.at[1]], rows1_v, sem1)

            @pl.loop(0, KBI, step=2)
            def _(j):
                g0.wait()
                pltpu.sync_copy(rows0_v, agg.at[dst_v.at[j]], add=True)

                @pl.when(j + 2 < KBI)
                def _():
                    pltpu.async_copy(yb.at[src_v.at[j + 2]], rows0_v, sem0)

                g1.wait()
                pltpu.sync_copy(rows1_v, agg.at[dst_v.at[j + 1]], add=True)

                @pl.when(j + 3 < KBI)
                def _():
                    pltpu.async_copy(yb.at[src_v.at[j + 3]], rows1_v, sem1)

    @pl.when(cid == 0)
    def _():
        work(y0, src0, dst0, z0)

    @pl.when(cid == 1)
    def _():
        work(y1, src1, dst1, z1)

    plsc.subcore_barrier()

    @pl.when(cid == 0)
    def _():
        pltpu.sync_copy(agg.at[pl.ds(sid * ROWS_PT, ROWS_PT)],
                        z0.at[pl.ds(sid * ROWS_PT, ROWS_PT)])

    @pl.when(cid == 1)
    def _():
        pltpu.sync_copy(agg.at[pl.ds(sid * ROWS_PT, ROWS_PT)],
                        z1.at[pl.ds(sid * ROWS_PT, ROWS_PT)])


BLK = 512


def _prep_body(degp0_ref, degp1_ref, xp_ref, dinv_ref, y0_ref, y1_ref):
    deg0 = jnp.sum(degp0_ref[...], axis=0) + 1.0
    deg1 = jnp.sum(degp1_ref[...], axis=0) + 1.0
    dinv0 = lax.rsqrt(jnp.maximum(deg0, 1.0))
    dinv1 = lax.rsqrt(jnp.maximum(deg1, 1.0))
    dinv_ref[0, :] = dinv0
    dinv_ref[1, :] = dinv1
    x = xp_ref[...]
    y0_ref[...] = x * dinv0[:, None]
    y1_ref[...] = x * dinv1[:, None]


def _prep(degp0, degp1, xp):
    return pl.pallas_call(
        _prep_body,
        grid=(NP // BLK,),
        in_specs=[
            pl.BlockSpec((NS, BLK), lambda i: (0, i)),
            pl.BlockSpec((NS, BLK), lambda i: (0, i)),
            pl.BlockSpec((BLK, D), lambda i: (i, 0)),
        ],
        out_specs=[
            pl.BlockSpec((2, BLK), lambda i: (0, i)),
            pl.BlockSpec((BLK, D), lambda i: (i, 0)),
            pl.BlockSpec((BLK, D), lambda i: (i, 0)),
        ],
        out_shape=[
            jax.ShapeDtypeStruct((2, NP), jnp.float32),
            jax.ShapeDtypeStruct((NP, D), jnp.float32),
            jax.ShapeDtypeStruct((NP, D), jnp.float32),
        ],
    )(degp0, degp1, xp)


def _mid_body(z0_ref, z1_ref, y0_ref, y1_ref, dinv_ref, w_ref, b_ref,
              o0_ref, o1_ref):
    dinv0 = dinv_ref[0, :]
    dinv1 = dinv_ref[1, :]
    agg0 = (z0_ref[...] + y0_ref[...]) * dinv0[:, None]
    agg1 = (z1_ref[...] + y1_ref[...]) * dinv1[:, None]
    h0 = jnp.maximum(
        jnp.dot(agg0, w_ref[0], preferred_element_type=jnp.float32) + b_ref[0],
        0.0)
    h1 = jnp.maximum(
        jnp.dot(agg1, w_ref[1], preferred_element_type=jnp.float32) + b_ref[1],
        0.0)
    o0_ref[...] = h0 * dinv0[:, None]
    o1_ref[...] = h1 * dinv1[:, None]


def _mid(z0, z1, y0, y1, dinv, w1s, b1s):
    return pl.pallas_call(
        _mid_body,
        grid=(NP // BLK,),
        in_specs=[
            pl.BlockSpec((BLK, D), lambda i: (i, 0)),
            pl.BlockSpec((BLK, D), lambda i: (i, 0)),
            pl.BlockSpec((BLK, D), lambda i: (i, 0)),
            pl.BlockSpec((BLK, D), lambda i: (i, 0)),
            pl.BlockSpec((2, BLK), lambda i: (0, i)),
            pl.BlockSpec((2, D, D), lambda i: (0, 0, 0)),
            pl.BlockSpec((2, D), lambda i: (0, 0)),
        ],
        out_specs=[
            pl.BlockSpec((BLK, D), lambda i: (i, 0)),
            pl.BlockSpec((BLK, D), lambda i: (i, 0)),
        ],
        out_shape=[
            jax.ShapeDtypeStruct((NP, D), jnp.float32),
            jax.ShapeDtypeStruct((NP, D), jnp.float32),
        ],
    )(z0, z1, y0, y1, dinv, w1s, b1s)


def _fin_body(z0_ref, z1_ref, y0_ref, y1_ref, dinv_ref, w2_ref, b2_ref,
              wc_ref, bc_ref, out_ref, oo_ref, dd_ref):
    dinv0 = dinv_ref[0, :]
    dinv1 = dinv_ref[1, :]
    agg0 = (z0_ref[...] + y0_ref[...]) * dinv0[:, None]
    agg1 = (z1_ref[...] + y1_ref[...]) * dinv1[:, None]
    oo = jnp.dot(agg0, w2_ref[0], preferred_element_type=jnp.float32) + b2_ref[0]
    dd = jnp.dot(agg1, w2_ref[1], preferred_element_type=jnp.float32) + b2_ref[1]
    oo_ref[...] = oo
    dd_ref[...] = dd
    out = (jnp.dot(oo, wc_ref[0], preferred_element_type=jnp.float32)
           + jnp.dot(dd, wc_ref[1], preferred_element_type=jnp.float32)
           + bc_ref[...])
    out_ref[...] = jnp.maximum(out, 0.0)


def _fin(z0, z1, y0, y1, dinv, w2s, b2s, wcs, bc):
    return pl.pallas_call(
        _fin_body,
        grid=(NP // BLK,),
        in_specs=[
            pl.BlockSpec((BLK, D), lambda i: (i, 0)),
            pl.BlockSpec((BLK, D), lambda i: (i, 0)),
            pl.BlockSpec((BLK, D), lambda i: (i, 0)),
            pl.BlockSpec((BLK, D), lambda i: (i, 0)),
            pl.BlockSpec((2, BLK), lambda i: (0, i)),
            pl.BlockSpec((2, D, D), lambda i: (0, 0, 0)),
            pl.BlockSpec((2, D), lambda i: (0, 0)),
            pl.BlockSpec((2, D, D), lambda i: (0, 0, 0)),
            pl.BlockSpec((D,), lambda i: (0,)),
        ],
        out_specs=[
            pl.BlockSpec((BLK, D), lambda i: (i, 0)),
            pl.BlockSpec((BLK, D), lambda i: (i, 0)),
            pl.BlockSpec((BLK, D), lambda i: (i, 0)),
        ],
        out_shape=[
            jax.ShapeDtypeStruct((NP, D), jnp.float32),
            jax.ShapeDtypeStruct((NP, D), jnp.float32),
            jax.ShapeDtypeStruct((NP, D), jnp.float32),
        ],
    )(z0, z1, y0, y1, dinv, w2s, b2s, wcs, bc)


def _pad_edges(ei):
    src = jnp.concatenate(
        [ei[0], jnp.full((EP - E,), N, jnp.int32)]).reshape(NS, K, CH)
    dst = jnp.concatenate(
        [ei[1], jnp.full((EP - E,), N, jnp.int32)]).reshape(NS, K, CH)
    return src, dst


def kernel(x, original_edge_index, dg_edge_index,
           Wo1, bo1, Wo2, bo2, Wd1, bd1, Wd2, bd2, Wc, bc):
    src0, dst0 = _pad_edges(original_edge_index)
    src1, dst1 = _pad_edges(dg_edge_index)
    dst0f = dst0.reshape(NS, EPT)
    dst1f = dst1.reshape(NS, EPT)
    xp = jnp.zeros((NP, D), jnp.float32).at[:N].set(x)
    zr = jnp.zeros((NP, D), jnp.float32)

    degp0, degp1 = _deg_kernel(dst0f, dst1f)
    dinv, y0, y1 = _prep(degp0, degp1, xp)
    z0, z1 = _prop_kernel(y0, y1, src0, dst0, src1, dst1, zr)
    y20, y21 = _mid(z0, z1, y0, y1, dinv,
                    jnp.stack([Wo1, Wd1]), jnp.stack([bo1, bd1]))
    z20, z21 = _prop_kernel(y20, y21, src0, dst0, src1, dst1, zr)
    out, oo, dd = _fin(z20, z21, y20, y21, dinv,
                       jnp.stack([Wo2, Wd2]), jnp.stack([bo2, bd2]),
                       Wc.reshape(2, D, D), bc)

    out = out[:N]
    oo = oo[:N]
    dd = dd[:N]
    concat = jnp.concatenate([oo, dd], axis=-1)
    return (out, oo, dd, concat)

# --- scband reference (transcript-rebuilt; emitter-appended) ---
"""Pipeline reference for scband-simple-concat-fusion-model-91250875171163 (READ-ONLY COPY).

The authoritative reference and input builder live on the scoring server;
editing this copy changes nothing except your own understanding.
"""

import jax, jax.numpy as jnp
import numpy as np

N = 10000
E = 320000
D_IN = 128
D_HID = 128
D_OUT = 128


def setup_inputs(seed: int = 0) -> dict:
    key = jax.random.key(seed)
    ks = jax.random.split(key, 16)
    def lin(k, fan_in, fan_out):
        s = 1.0 / np.sqrt(fan_in)
        kw, kb = jax.random.split(k)
        W = jax.random.uniform(kw, (fan_in, fan_out), jnp.float32, -s, s)
        b = jax.random.uniform(kb, (fan_out,), jnp.float32, -s, s)
        return W, b
    Wo1, bo1 = lin(ks[3], D_IN, D_HID)
    Wo2, bo2 = lin(ks[4], D_HID, D_OUT)
    Wd1, bd1 = lin(ks[5], D_IN, D_HID)
    Wd2, bd2 = lin(ks[6], D_HID, D_OUT)
    Wc, bc = lin(ks[7], 2 * D_OUT, D_OUT)
    return {
        "x": jax.random.normal(ks[0], (N, D_IN), jnp.float32),
        "original_edge_index": jax.random.randint(ks[1], (2, E), 0, N, jnp.int32),
        "dg_edge_index": jax.random.randint(ks[2], (2, E), 0, N, jnp.int32),
        "Wo1": Wo1, "bo1": bo1, "Wo2": Wo2, "bo2": bo2,
        "Wd1": Wd1, "bd1": bd1, "Wd2": Wd2, "bd2": bd2,
        "Wc": Wc, "bc": bc,
    }


def _gcn_layer(x, src, dst, W, b):
    # PyG-style GCNConv: D^{-1/2} (A+I) D^{-1/2} X W + b, self-loops included
    loop = jnp.arange(N, dtype=src.dtype)
    s = jnp.concatenate([src, loop])
    d = jnp.concatenate([dst, loop])
    deg = jax.ops.segment_sum(jnp.ones_like(s, jnp.float32), d, num_segments=N)
    dinv = jax.lax.rsqrt(jnp.maximum(deg, 1.0))
    norm = dinv[s] * dinv[d]
    msg = x[s] * norm[:, None]
    agg = jax.ops.segment_sum(msg, d, num_segments=N)
    return agg @ W + b


def _gcn(x, edge_index, W1, b1, W2, b2):
    src, dst = edge_index[0], edge_index[1]
    h = jax.nn.relu(_gcn_layer(x, src, dst, W1, b1))
    return _gcn_layer(h, src, dst, W2, b2)


def reference(x, original_edge_index, dg_edge_index,
              Wo1, bo1, Wo2, bo2, Wd1, bd1, Wd2, bd2, Wc, bc):
    original_out = _gcn(x, original_edge_index, Wo1, bo1, Wo2, bo2)
    dg_out = _gcn(x, dg_edge_index, Wd1, bd1, Wd2, bd2)
    concat = jnp.concatenate([original_out, dg_out], axis=-1)
    out = jax.nn.relu(concat @ Wc + bc)  # dropout is identity in eval
    return (out, original_out, dg_out, concat)


if False:  # reference __main__ guard neutralized (emitter)
    inp = setup_inputs()
    outs = reference(**inp)
    print([o.shape for o in outs])

if __name__ == "__main__":
    import jax
    _d = setup_inputs()
    print(jax.jit(kernel)(*tuple(_d.values())))

</pallas_src>

<mosaic_0001>
#map = affine_map<(d0, d1) -> (0, 0)>
#map1 = affine_map<(d0, d1) -> (0, 0, 0)>
module attributes {stable_mosaic.version = 14 : i64} {
  func.func @_prop_kernel(%arg0: i32, %arg1: i32, %arg2: memref<10240x128xf32, #tpu.memory_space<hbm>>, %arg3: memref<10240x128xf32, #tpu.memory_space<hbm>>, %arg4: memref<16x160x128xi32, #tpu.memory_space<hbm>>, %arg5: memref<16x160x128xi32, #tpu.memory_space<hbm>>, %arg6: memref<16x160x128xi32, #tpu.memory_space<hbm>>, %arg7: memref<16x160x128xi32, #tpu.memory_space<hbm>>, %arg8: memref<10240x128xf32, #tpu.memory_space<hbm>>, %arg9: memref<10240x128xf32, #tpu.memory_space<hbm>>, %arg10: memref<10240x128xf32, #tpu.memory_space<hbm>>, %arg11: memref<40x128xi32, #tpu.memory_space<vmem>>, %arg12: memref<40x128xi32, #tpu.memory_space<vmem>>, %arg13: memref<128x128xf32, #tpu.memory_space<vmem>>, %arg14: memref<128x128xf32, #tpu.memory_space<vmem>>, %arg15: memref<10240x128xf32, #tpu.memory_space<vmem_shared>>, %arg16: memref<!tpu.dma_semaphore, #tpu.memory_space<semaphore_mem>>, %arg17: memref<!tpu.dma_semaphore, #tpu.memory_space<semaphore_mem>>) attributes {dimension_semantics = [#tpu.dimension_semantics<core_parallel>, #tpu.dimension_semantics<subcore_parallel>], iteration_bounds = array<i64: 2, 16>, scalar_prefetch = 0 : i64, scratch_operands = 7 : i64, tpu.core_type = #tpu.core_type<sc_vector_subcore>, window_params = [{transform_indices = #map}, {transform_indices = #map}, {transform_indices = #map1}, {transform_indices = #map1}, {transform_indices = #map1}, {transform_indices = #map1}, {transform_indices = #map}, {transform_indices = #map}, {transform_indices = #map}]} {
    %mul3A = arith.constant 640 : i32
    %mul3A_0 = arith.muli %arg1, %mul3A : i32
    %mul3A_1 = arith.constant 640 : i32
    %mul3A_2 = arith.muli %arg1, %mul3A_1 : i32
    "tpu.region"() ({
      %run_scoped3A = tpu.sem_alloc : memref<!tpu.dma_semaphore, #tpu.memory_space<semaphore_mem>>
      %dma_start3A = arith.constant 0 : i32
      %dma_start3A_21 = tpu.memref_slice %arg15[%mul3A_2, %dma_start3A] : memref<10240x128xf32, #tpu.memory_space<vmem_shared>> -> memref<640x128xf32, #tpu.memory_space<vmem_shared>>
      %dma_start3A_22 = arith.constant 0 : i32
      %dma_start3A_23 = tpu.memref_slice %arg8[%mul3A_0, %dma_start3A_22] : memref<10240x128xf32, #tpu.memory_space<hbm>> -> memref<640x128xf32, #tpu.memory_space<hbm>>
      tpu.enqueue_dma source(%dma_start3A_23 : memref<640x128xf32, #tpu.memory_space<hbm>>) target(%dma_start3A_21 : memref<640x128xf32, #tpu.memory_space<vmem_shared>>) target_semaphore(%run_scoped3A : memref<!tpu.dma_semaphore, #tpu.memory_space<semaphore_mem>>)
      %dma_wait3A = arith.constant 0 : i32
      %dma_wait3A_24 = tpu.memref_slice %arg15[%mul3A_2, %dma_wait3A] : memref<10240x128xf32, #tpu.memory_space<vmem_shared>> -> memref<640x128xf32, #tpu.memory_space<vmem_shared>>
      %dma_wait3A_25 = arith.constant 0 : i32
      %dma_wait3A_26 = tpu.memref_slice %arg8[%mul3A_0, %dma_wait3A_25] : memref<10240x128xf32, #tpu.memory_space<hbm>> -> memref<640x128xf32, #tpu.memory_space<hbm>>
      tpu.wait_dma2 semaphore(%run_scoped3A : memref<!tpu.dma_semaphore, #tpu.memory_space<semaphore_mem>>) src(%dma_wait3A_26 : memref<640x128xf32, #tpu.memory_space<hbm>>) dst(%dma_wait3A_24 : memref<640x128xf32, #tpu.memory_space<vmem_shared>>)
      tpu.yield
    }) : () -> ()
    %barrier3A = arith.constant 0 : index
    tpu.barrier barrier_id(%barrier3A)
    %eq3A = arith.constant 0 : i32
    %eq3A_3 = arith.cmpi eq, %arg0, %eq3A : i32
    %convert_element_type3A = arith.extui %eq3A_3 : i1 to i32
    %cond3A = arith.constant 0 : i32
    %cond3A_4 = arith.cmpi ne, %convert_element_type3A, %cond3A : i32
    scf.if %cond3A_4 {
      %scan3A = arith.constant 0 : i32
      %scan3A_21 = arith.constant 4 : i32
      %scan3A_22 = arith.addi %scan3A, %scan3A_21 : i32
      %scan3A_23 = arith.constant 1 : i32
      scf.for %scan3A_25 = %scan3A to %scan3A_22 step %scan3A_23  : i32 {
        %mul3A_26 = arith.constant 1 : i32
        %mul3A_27 = arith.muli %scan3A_25, %mul3A_26 : i32
        %add3A = arith.constant 0 : i32
        %add3A_28 = arith.addi %add3A, %mul3A_27 : i32
        %mul3A_29 = arith.constant 40 : i32
        %mul3A_30 = arith.muli %add3A_28, %mul3A_29 : i32
        "tpu.region"() ({
          %run_scoped3A = tpu.sem_alloc : memref<!tpu.dma_semaphore, #tpu.memory_space<semaphore_mem>>
          %dma_start3A_53 = arith.constant 0 : i32
          %dma_start3A_54 = tpu.memref_slice %arg4[%arg1, %mul3A_30, %dma_start3A_53] : memref<16x160x128xi32, #tpu.memory_space<hbm>> -> memref<1x40x128xi32, #tpu.memory_space<hbm>>
          %dma_start3A_55 = tpu.memref_squeeze %dma_start3A_54 : memref<1x40x128xi32, #tpu.memory_space<hbm>> -> memref<40x128xi32, #tpu.memory_space<hbm>>
          %dma_start3A_56 = arith.constant 0 : i32
          %dma_start3A_57 = tpu.memref_slice %arg4[%arg1, %mul3A_30, %dma_start3A_56] : memref<16x160x128xi32, #tpu.memory_space<hbm>> -> memref<1x40x128xi32, #tpu.memory_space<hbm>>
          %dma_start3A_58 = tpu.memref_squeeze %dma_start3A_57 : memref<1x40x128xi32, #tpu.memory_space<hbm>> -> memref<40x128xi32, #tpu.memory_space<hbm>>
          tpu.enqueue_dma source(%dma_start3A_58 : memref<40x128xi32, #tpu.memory_space<hbm>>) target(%arg11 : memref<40x128xi32, #tpu.memory_space<vmem>>) target_semaphore(%run_scoped3A : memref<!tpu.dma_semaphore, #tpu.memory_space<semaphore_mem>>)
          %dma_wait3A = arith.constant 0 : i32
          %dma_wait3A_59 = tpu.memref_slice %arg4[%arg1, %mul3A_30, %dma_wait3A] : memref<16x160x128xi32, #tpu.memory_space<hbm>> -> memref<1x40x128xi32, #tpu.memory_space<hbm>>
          %dma_wait3A_60 = tpu.memref_squeeze %dma_wait3A_59 : memref<1x40x128xi32, #tpu.memory_space<hbm>> -> memref<40x128xi32, #tpu.memory_space<hbm>>
          %dma_wait3A_61 = arith.constant 0 : i32
          %dma_wait3A_62 = tpu.memref_slice %arg4[%arg1, %mul3A_30, %dma_wait3A_61] : memref<16x160x128xi32, #tpu.memory_space<hbm>> -> memref<1x40x128xi32, #tpu.memory_space<hbm>>
          %dma_wait3A_63 = tpu.memref_squeeze %dma_wait3A_62 : memref<1x40x128xi32, #tpu.memory_space<hbm>> -> memref<40x128xi32, #tpu.memory_space<hbm>>
          tpu.wait_dma2 semaphore(%run_scoped3A : memref<!tpu.dma_semaphore, #tpu.memory_space<semaphore_mem>>) src(%dma_wait3A_63 : memref<40x128xi32, #tpu.memory_space<hbm>>) dst(%arg11 : memref<40x128xi32, #tpu.memory_space<vmem>>)
          tpu.yield
        }) : () -> ()
        %mul3A_31 = arith.constant 40 : i32
        %mul3A_32 = arith.muli %add3A_28, %mul3A_31 : i32
        "tpu.region"() ({
          %run_scoped3A = tpu.sem_alloc : memref<!tpu.dma_semaphore, #tpu.memory_space<semaphore_mem>>
          %dma_start3A_53 = arith.constant 0 : i32
          %dma_start3A_54 = tpu.memref_slice %arg5[%arg1, %mul3A_32, %dma_start3A_53] : memref<16x160x128xi32, #tpu.memory_space<hbm>> -> memref<1x40x128xi32, #tpu.memory_space<hbm>>
          %dma_start3A_55 = tpu.memref_squeeze %dma_start3A_54 : memref<1x40x128xi32, #tpu.memory_space<hbm>> -> memref<40x128xi32, #tpu.memory_space<hbm>>
          %dma_start3A_56 = arith.constant 0 : i32
          %dma_start3A_57 = tpu.memref_slice %arg5[%arg1, %mul3A_32, %dma_start3A_56] : memref<16x160x128xi32, #tpu.memory_space<hbm>> -> memref<1x40x128xi32, #tpu.memory_space<hbm>>
          %dma_start3A_58 = tpu.memref_squeeze %dma_start3A_57 : memref<1x40x128xi32, #tpu.memory_space<hbm>> -> memref<40x128xi32, #tpu.memory_space<hbm>>
          tpu.enqueue_dma source(%dma_start3A_58 : memref<40x128xi32, #tpu.memory_space<hbm>>) target(%arg12 : memref<40x128xi32, #tpu.memory_space<vmem>>) target_semaphore(%run_scoped3A : memref<!tpu.dma_semaphore, #tpu.memory_space<semaphore_mem>>)
          %dma_wait3A = arith.constant 0 : i32
          %dma_wait3A_59 = tpu.memref_slice %arg5[%arg1, %mul3A_32, %dma_wait3A] : memref<16x160x128xi32, #tpu.memory_space<hbm>> -> memref<1x40x128xi32, #tpu.memory_space<hbm>>
          %dma_wait3A_60 = tpu.memref_squeeze %dma_wait3A_59 : memref<1x40x128xi32, #tpu.memory_space<hbm>> -> memref<40x128xi32, #tpu.memory_space<hbm>>
          %dma_wait3A_61 = arith.constant 0 : i32
          %dma_wait3A_62 = tpu.memref_slice %arg5[%arg1, %mul3A_32, %dma_wait3A_61] : memref<16x160x128xi32, #tpu.memory_space<hbm>> -> memref<1x40x128xi32, #tpu.memory_space<hbm>>
          %dma_wait3A_63 = tpu.memref_squeeze %dma_wait3A_62 : memref<1x40x128xi32, #tpu.memory_space<hbm>> -> memref<40x128xi32, #tpu.memory_space<hbm>>
          tpu.wait_dma2 semaphore(%run_scoped3A : memref<!tpu.dma_semaphore, #tpu.memory_space<semaphore_mem>>) src(%dma_wait3A_63 : memref<40x128xi32, #tpu.memory_space<hbm>>) dst(%arg12 : memref<40x128xi32, #tpu.memory_space<vmem>>)
          tpu.yield
        }) : () -> ()
        %dma_start3A = arith.constant 0 : i32
        %dma_start3A_33 = arith.constant 0 : i32
        %dma_start3A_34 = tpu.memref_slice %arg11[%dma_start3A, %dma_start3A_33] : memref<40x128xi32, #tpu.memory_space<vmem>> -> memref<1x128xi32, #tpu.memory_space<vmem>>
        %dma_start3A_35 = tpu.memref_squeeze %dma_start3A_34 : memref<1x128xi32, #tpu.memory_space<vmem>> -> memref<128xi32, #tpu.memory_space<vmem>>
        %dma_start3A_36 = arith.constant 0 : i32
        %dma_start3A_37 = arith.constant 0 : i32
        %dma_start3A_38 = tpu.memref_slice %arg2[%dma_start3A_36, %dma_start3A_37] : memref<10240x128xf32, #tpu.memory_space<hbm>> -> memref<10240x128xf32, #tpu.memory_space<hbm>>
        tpu.enqueue_indirect_dma source(%dma_start3A_38 : memref<10240x128xf32, #tpu.memory_space<hbm>>) target(%arg13 : memref<128x128xf32, #tpu.memory_space<vmem>>) offsets(%dma_start3A_35 : memref<128xi32, #tpu.memory_space<vmem>>) semaphore(%arg16 : memref<!tpu.dma_semaphore, #tpu.memory_space<semaphore_mem>>)
        %dma_start3A_39 = arith.constant 1 : i32
        %dma_start3A_40 = arith.constant 0 : i32
        %dma_start3A_41 = tpu.memref_slice %arg11[%dma_start3A_39, %dma_start3A_40] : memref<40x128xi32, #tpu.memory_space<vmem>> -> memref<1x128xi32, #tpu.memory_space<vmem>>
        %dma_start3A_42 = tpu.memref_squeeze %dma_start3A_41 : memref<1x128xi32, #tpu.memory_space<vmem>> -> memref<128xi32, #tpu.memory_space<vmem>>
        %dma_start3A_43 = arith.constant 0 : i32
        %dma_start3A_44 = arith.constant 0 : i32
        %dma_start3A_45 = tpu.memref_slice %arg2[%dma_start3A_43, %dma_start3A_44] : memref<10240x128xf32, #tpu.memory_space<hbm>> -> memref<10240x128xf32, #tpu.memory_space<hbm>>
        tpu.enqueue_indirect_dma source(%dma_start3A_45 : memref<10240x128xf32, #tpu.memory_space<hbm>>) target(%arg14 : memref<128x128xf32, #tpu.memory_space<vmem>>) offsets(%dma_start3A_42 : memref<128xi32, #tpu.memory_space<vmem>>) semaphore(%arg17 : memref<!tpu.dma_semaphore, #tpu.memory_space<semaphore_mem>>)
        %scan3A_46 = arith.constant 0 : i32
        %scan3A_47 = arith.constant 1 : i32
        %scan3A_48 = arith.constant 0 : i32
        %scan3A_49 = arith.constant 20 : i32
        %scan3A_50 = arith.addi %scan3A_48, %scan3A_49 : i32
        %scan3A_51 = arith.constant 1 : i32
        scf.for %scan3A_53 = %scan3A_48 to %scan3A_50 step %scan3A_51  : i32 {
          %mul3A_54 = arith.constant 2 : i32
          %mul3A_55 = arith.muli %scan3A_53, %mul3A_54 : i32
          %add3A_56 = arith.constant 0 : i32
          %add3A_57 = arith.addi %add3A_56, %mul3A_55 : i32
          %dma_wait3A = arith.constant 0 : i32
          %dma_wait3A_58 = tpu.memref_slice %arg11[%scan3A_46, %dma_wait3A] : memref<40x128xi32, #tpu.memory_space<vmem>> -> memref<1x128xi32, #tpu.memory_space<vmem>>
          %dma_wait3A_59 = tpu.memref_squeeze %dma_wait3A_58 : memref<1x128xi32, #tpu.memory_space<vmem>> -> memref<128xi32, #tpu.memory_space<vmem>>
          %dma_wait3A_60 = arith.constant 0 : i32
          %dma_wait3A_61 = arith.constant 0 : i32
          %dma_wait3A_62 = tpu.memref_slice %arg2[%dma_wait3A_60, %dma_wait3A_61] : memref<10240x128xf32, #tpu.memory_space<hbm>> -> memref<10240x128xf32, #tpu.memory_space<hbm>>
          tpu.wait_indirect_dma semaphore(%arg16 : memref<!tpu.dma_semaphore, #tpu.memory_space<semaphore_mem>>) src(%dma_wait3A_62 : memref<10240x128xf32, #tpu.memory_space<hbm>>) dst(%arg13 : memref<128x128xf32, #tpu.memory_space<vmem>>)
          "tpu.region"() ({
            %run_scoped3A = tpu.sem_alloc : memref<!tpu.dma_semaphore, #tpu.memory_space<semaphore_mem>>
            %dma_start3A_84 = arith.constant 0 : i32
            %dma_start3A_85 = tpu.memref_slice %arg12[%add3A_57, %dma_start3A_84] : memref<40x128xi32, #tpu.memory_space<vmem>> -> memref<1x128xi32, #tpu.memory_space<vmem>>
            %dma_start3A_86 = tpu.memref_squeeze %dma_start3A_85 : memref<1x128xi32, #tpu.memory_space<vmem>> -> memref<128xi32, #tpu.memory_space<vmem>>
            %dma_start3A_87 = arith.constant 0 : i32
            %dma_start3A_88 = arith.constant 0 : i32
            %dma_start3A_89 = tpu.memref_slice %arg15[%dma_start3A_87, %dma_start3A_88] : memref<10240x128xf32, #tpu.memory_space<vmem_shared>> -> memref<10240x128xf32, #tpu.memory_space<vmem_shared>>
            tpu.enqueue_indirect_dma source(%arg13 : memref<128x128xf32, #tpu.memory_space<vmem>>) target(%dma_start3A_89 : memref<10240x128xf32, #tpu.memory_space<vmem_shared>>) offsets(%dma_start3A_86 : memref<128xi32, #tpu.memory_space<vmem>>) semaphore(%run_scoped3A : memref<!tpu.dma_semaphore, #tpu.memory_space<semaphore_mem>>) {add = true}
            %dma_wait3A_90 = arith.constant 0 : i32
            %dma_wait3A_91 = tpu.memref_slice %arg12[%add3A_57, %dma_wait3A_90] : memref<40x128xi32, #tpu.memory_space<vmem>> -> memref<1x128xi32, #tpu.memory_space<vmem>>
            %dma_wait3A_92 = tpu.memref_squeeze %dma_wait3A_91 : memref<1x128xi32, #tpu.memory_space<vmem>> -> memref<128xi32, #tpu.memory_space<vmem>>
            %dma_wait3A_93 = arith.constant 0 : i32
            %dma_wait3A_94 = arith.constant 0 : i32
            %dma_wait3A_95 = tpu.memref_slice %arg15[%dma_wait3A_93, %dma_wait3A_94] : memref<10240x128xf32, #tpu.memory_space<vmem_shared>> -> memref<10240x128xf32, #tpu.memory_space<vmem_shared>>
            tpu.wait_indirect_dma semaphore(%run_scoped3A : memref<!tpu.dma_semaphore, #tpu.memory_space<semaphore_mem>>) src(%arg13 : memref<128x128xf32, #tpu.memory_space<vmem>>) dst(%dma_wait3A_95 : memref<10240x128xf32, #tpu.memory_space<vmem_shared>>)
            tpu.yield
          }) : () -> ()
          %add3A_63 = arith.constant 2 : i32
          %add3A_64 = arith.addi %add3A_57, %add3A_63 : i32
          %lt3A = arith.constant 40 : i32
          %lt3A_65 = arith.cmpi slt, %add3A_64, %lt3A : i32
          %convert_element_type3A_66 = arith.extui %lt3A_65 : i1 to i32
          %cond3A_67 = arith.constant 0 : i32
          %cond3A_68 = arith.cmpi ne, %convert_element_type3A_66, %cond3A_67 : i32
          scf.if %cond3A_68 {
            %add3A_84 = arith.constant 2 : i32
            %add3A_85 = arith.addi %add3A_57, %add3A_84 : i32
            %dma_start3A_86 = arith.constant 0 : i32
            %dma_start3A_87 = tpu.memref_slice %arg11[%add3A_85, %dma_start3A_86] : memref<40x128xi32, #tpu.memory_space<vmem>> -> memref<1x128xi32, #tpu.memory_space<vmem>>
            %dma_start3A_88 = tpu.memref_squeeze %dma_start3A_87 : memref<1x128xi32, #tpu.memory_space<vmem>> -> memref<128xi32, #tpu.memory_space<vmem>>
            %dma_start3A_89 = arith.constant 0 : i32
            %dma_start3A_90 = arith.constant 0 : i32
            %dma_start3A_91 = tpu.memref_slice %arg2[%dma_start3A_89, %dma_start3A_90] : memref<10240x128xf32, #tpu.memory_space<hbm>> -> memref<10240x128xf32, #tpu.memory_space<hbm>>
            tpu.enqueue_indirect_dma source(%dma_start3A_91 : memref<10240x128xf32, #tpu.memory_space<hbm>>) target(%arg13 : memref<128x128xf32, #tpu.memory_space<vmem>>) offsets(%dma_start3A_88 : memref<128xi32, #tpu.memory_space<vmem>>) semaphore(%arg16 : memref<!tpu.dma_semaphore, #tpu.memory_space<semaphore_mem>>)
          } else {
          }
          %dma_wait3A_69 = arith.constant 0 : i32
          %dma_wait3A_70 = tpu.memref_slice %arg11[%scan3A_47, %dma_wait3A_69] : memref<40x128xi32, #tpu.memory_space<vmem>> -> memref<1x128xi32, #tpu.memory_space<vmem>>
          %dma_wait3A_71 = tpu.memref_squeeze %dma_wait3A_70 : memref<1x128xi32, #tpu.memory_space<vmem>> -> memref<128xi32, #tpu.memory_space<vmem>>
          %dma_wait3A_72 = arith.constant 0 : i32
          %dma_wait3A_73 = arith.constant 0 : i32
          %dma_wait3A_74 = tpu.memref_slice %arg2[%dma_wait3A_72, %dma_wait3A_73] : memref<10240x128xf32, #tpu.memory_space<hbm>> -> memref<10240x128xf32, #tpu.memory_space<hbm>>
          tpu.wait_indirect_dma semaphore(%arg17 : memref<!tpu.dma_semaphore, #tpu.memory_space<semaphore_mem>>) src(%dma_wait3A_74 : memref<10240x128xf32, #tpu.memory_space<hbm>>) dst(%arg14 : memref<128x128xf32, #tpu.memory_space<vmem>>)
          %add3A_75 = arith.constant 1 : i32
          %add3A_76 = arith.addi %add3A_57, %add3A_75 : i32
          "tpu.region"() ({
            %run_scoped3A = tpu.sem_alloc : memref<!tpu.dma_semaphore, #tpu.memory_space<semaphore_mem>>
            %dma_start3A_84 = arith.constant 0 : i32
            %dma_start3A_85 = tpu.memref_slice %arg12[%add3A_76, %dma_start3A_84] : memref<40x128xi32, #tpu.memory_space<vmem>> -> memref<1x128xi32, #tpu.memory_space<vmem>>
            %dma_start3A_86 = tpu.memref_squeeze %dma_start3A_85 : memref<1x128xi32, #tpu.memory_space<vmem>> -> memref<128xi32, #tpu.memory_space<vmem>>
            %dma_start3A_87 = arith.constant 0 : i32
            %dma_start3A_88 = arith.constant 0 : i32
            %dma_start3A_89 = tpu.memref_slice %arg15[%dma_start3A_87, %dma_start3A_88] : memref<10240x128xf32, #tpu.memory_space<vmem_shared>> -> memref<10240x128xf32, #tpu.memory_space<vmem_shared>>
            tpu.enqueue_indirect_dma source(%arg14 : memref<128x128xf32, #tpu.memory_space<vmem>>) target(%dma_start3A_89 : memref<10240x128xf32, #tpu.memory_space<vmem_shared>>) offsets(%dma_start3A_86 : memref<128xi32, #tpu.memory_space<vmem>>) semaphore(%run_scoped3A : memref<!tpu.dma_semaphore, #tpu.memory_space<semaphore_mem>>) {add = true}
            %dma_wait3A_90 = arith.constant 0 : i32
            %dma_wait3A_91 = tpu.memref_slice %arg12[%add3A_76, %dma_wait3A_90] : memref<40x128xi32, #tpu.memory_space<vmem>> -> memref<1x128xi32, #tpu.memory_space<vmem>>
            %dma_wait3A_92 = tpu.memref_squeeze %dma_wait3A_91 : memref<1x128xi32, #tpu.memory_space<vmem>> -> memref<128xi32, #tpu.memory_space<vmem>>
            %dma_wait3A_93 = arith.constant 0 : i32
            %dma_wait3A_94 = arith.constant 0 : i32
            %dma_wait3A_95 = tpu.memref_slice %arg15[%dma_wait3A_93, %dma_wait3A_94] : memref<10240x128xf32, #tpu.memory_space<vmem_shared>> -> memref<10240x128xf32, #tpu.memory_space<vmem_shared>>
            tpu.wait_indirect_dma semaphore(%run_scoped3A : memref<!tpu.dma_semaphore, #tpu.memory_space<semaphore_mem>>) src(%arg14 : memref<128x128xf32, #tpu.memory_space<vmem>>) dst(%dma_wait3A_95 : memref<10240x128xf32, #tpu.memory_space<vmem_shared>>)
            tpu.yield
          }) : () -> ()
          %add3A_77 = arith.constant 3 : i32
          %add3A_78 = arith.addi %add3A_57, %add3A_77 : i32
          %lt3A_79 = arith.constant 40 : i32
          %lt3A_80 = arith.cmpi slt, %add3A_78, %lt3A_79 : i32
          %convert_element_type3A_81 = arith.extui %lt3A_80 : i1 to i32
          %cond3A_82 = arith.constant 0 : i32
          %cond3A_83 = arith.cmpi ne, %convert_element_type3A_81, %cond3A_82 : i32
          scf.if %cond3A_83 {
            %add3A_84 = arith.constant 3 : i32
            %add3A_85 = arith.addi %add3A_57, %add3A_84 : i32
            %dma_start3A_86 = arith.constant 0 : i32
            %dma_start3A_87 = tpu.memref_slice %arg11[%add3A_85, %dma_start3A_86] : memref<40x128xi32, #tpu.memory_space<vmem>> -> memref<1x128xi32, #tpu.memory_space<vmem>>
            %dma_start3A_88 = tpu.memref_squeeze %dma_start3A_87 : memref<1x128xi32, #tpu.memory_space<vmem>> -> memref<128xi32, #tpu.memory_space<vmem>>
            %dma_start3A_89 = arith.constant 0 : i32
            %dma_start3A_90 = arith.constant 0 : i32
            %dma_start3A_91 = tpu.memref_slice %arg2[%dma_start3A_89, %dma_start3A_90] : memref<10240x128xf32, #tpu.memory_space<hbm>> -> memref<10240x128xf32, #tpu.memory_space<hbm>>
            tpu.enqueue_indirect_dma source(%dma_start3A_91 : memref<10240x128xf32, #tpu.memory_space<hbm>>) target(%arg14 : memref<128x128xf32, #tpu.memory_space<vmem>>) offsets(%dma_start3A_88 : memref<128xi32, #tpu.memory_space<vmem>>) semaphore(%arg17 : memref<!tpu.dma_semaphore, #tpu.memory_space<semaphore_mem>>)
          } else {
          }
        }
        %scan3A_52 = arith.constant 20 : i32
      }
      %scan3A_24 = arith.constant 4 : i32
    } else {
    }
    %eq3A_5 = arith.constant 1 : i32
    %eq3A_6 = arith.cmpi eq, %arg0, %eq3A_5 : i32
    %convert_element_type3A_7 = arith.extui %eq3A_6 : i1 to i32
    %cond3A_8 = arith.constant 0 : i32
    %cond3A_9 = arith.cmpi ne, %convert_element_type3A_7, %cond3A_8 : i32
    scf.if %cond3A_9 {
      %scan3A = arith.constant 0 : i32
      %scan3A_21 = arith.constant 4 : i32
      %scan3A_22 = arith.addi %scan3A, %scan3A_21 : i32
      %scan3A_23 = arith.constant 1 : i32
      scf.for %scan3A_25 = %scan3A to %scan3A_22 step %scan3A_23  : i32 {
        %mul3A_26 = arith.constant 1 : i32
        %mul3A_27 = arith.muli %scan3A_25, %mul3A_26 : i32
        %add3A = arith.constant 0 : i32
        %add3A_28 = arith.addi %add3A, %mul3A_27 : i32
        %mul3A_29 = arith.constant 40 : i32
        %mul3A_30 = arith.muli %add3A_28, %mul3A_29 : i32
        "tpu.region"() ({
          %run_scoped3A = tpu.sem_alloc : memref<!tpu.dma_semaphore, #tpu.memory_space<semaphore_mem>>
          %dma_start3A_53 = arith.constant 0 : i32
          %dma_start3A_54 = tpu.memref_slice %arg6[%arg1, %mul3A_30, %dma_start3A_53] : memref<16x160x128xi32, #tpu.memory_space<hbm>> -> memref<1x40x128xi32, #tpu.memory_space<hbm>>
          %dma_start3A_55 = tpu.memref_squeeze %dma_start3A_54 : memref<1x40x128xi32, #tpu.memory_space<hbm>> -> memref<40x128xi32, #tpu.memory_space<hbm>>
          %dma_start3A_56 = arith.constant 0 : i32
          %dma_start3A_57 = tpu.memref_slice %arg6[%arg1, %mul3A_30, %dma_start3A_56] : memref<16x160x128xi32, #tpu.memory_space<hbm>> -> memref<1x40x128xi32, #tpu.memory_space<hbm>>
          %dma_start3A_58 = tpu.memref_squeeze %dma_start3A_57 : memref<1x40x128xi32, #tpu.memory_space<hbm>> -> memref<40x128xi32, #tpu.memory_space<hbm>>
          tpu.enqueue_dma source(%dma_start3A_58 : memref<40x128xi32, #tpu.memory_space<hbm>>) target(%arg11 : memref<40x128xi32, #tpu.memory_space<vmem>>) target_semaphore(%run_scoped3A : memref<!tpu.dma_semaphore, #tpu.memory_space<semaphore_mem>>)
          %dma_wait3A = arith.constant 0 : i32
          %dma_wait3A_59 = tpu.memref_slice %arg6[%arg1, %mul3A_30, %dma_wait3A] : memref<16x160x128xi32, #tpu.memory_space<hbm>> -> memref<1x40x128xi32, #tpu.memory_space<hbm>>
          %dma_wait3A_60 = tpu.memref_squeeze %dma_wait3A_59 : memref<1x40x128xi32, #tpu.memory_space<hbm>> -> memref<40x128xi32, #tpu.memory_space<hbm>>
          %dma_wait3A_61 = arith.constant 0 : i32
          %dma_wait3A_62 = tpu.memref_slice %arg6[%arg1, %mul3A_30, %dma_wait3A_61] : memref<16x160x128xi32, #tpu.memory_space<hbm>> -> memref<1x40x128xi32, #tpu.memory_space<hbm>>
          %dma_wait3A_63 = tpu.memref_squeeze %dma_wait3A_62 : memref<1x40x128xi32, #tpu.memory_space<hbm>> -> memref<40x128xi32, #tpu.memory_space<hbm>>
          tpu.wait_dma2 semaphore(%run_scoped3A : memref<!tpu.dma_semaphore, #tpu.memory_space<semaphore_mem>>) src(%dma_wait3A_63 : memref<40x128xi32, #tpu.memory_space<hbm>>) dst(%arg11 : memref<40x128xi32, #tpu.memory_space<vmem>>)
          tpu.yield
        }) : () -> ()
        %mul3A_31 = arith.constant 40 : i32
        %mul3A_32 = arith.muli %add3A_28, %mul3A_31 : i32
        "tpu.region"() ({
          %run_scoped3A = tpu.sem_alloc : memref<!tpu.dma_semaphore, #tpu.memory_space<semaphore_mem>>
          %dma_start3A_53 = arith.constant 0 : i32
          %dma_start3A_54 = tpu.memref_slice %arg7[%arg1, %mul3A_32, %dma_start3A_53] : memref<16x160x128xi32, #tpu.memory_space<hbm>> -> memref<1x40x128xi32, #tpu.memory_space<hbm>>
          %dma_start3A_55 = tpu.memref_squeeze %dma_start3A_54 : memref<1x40x128xi32, #tpu.memory_space<hbm>> -> memref<40x128xi32, #tpu.memory_space<hbm>>
          %dma_start3A_56 = arith.constant 0 : i32
          %dma_start3A_57 = tpu.memref_slice %arg7[%arg1, %mul3A_32, %dma_start3A_56] : memref<16x160x128xi32, #tpu.memory_space<hbm>> -> memref<1x40x128xi32, #tpu.memory_space<hbm>>
          %dma_start3A_58 = tpu.memref_squeeze %dma_start3A_57 : memref<1x40x128xi32, #tpu.memory_space<hbm>> -> memref<40x128xi32, #tpu.memory_space<hbm>>
          tpu.enqueue_dma source(%dma_start3A_58 : memref<40x128xi32, #tpu.memory_space<hbm>>) target(%arg12 : memref<40x128xi32, #tpu.memory_space<vmem>>) target_semaphore(%run_scoped3A : memref<!tpu.dma_semaphore, #tpu.memory_space<semaphore_mem>>)
          %dma_wait3A = arith.constant 0 : i32
          %dma_wait3A_59 = tpu.memref_slice %arg7[%arg1, %mul3A_32, %dma_wait3A] : memref<16x160x128xi32, #tpu.memory_space<hbm>> -> memref<1x40x128xi32, #tpu.memory_space<hbm>>
          %dma_wait3A_60 = tpu.memref_squeeze %dma_wait3A_59 : memref<1x40x128xi32, #tpu.memory_space<hbm>> -> memref<40x128xi32, #tpu.memory_space<hbm>>
          %dma_wait3A_61 = arith.constant 0 : i32
          %dma_wait3A_62 = tpu.memref_slice %arg7[%arg1, %mul3A_32, %dma_wait3A_61] : memref<16x160x128xi32, #tpu.memory_space<hbm>> -> memref<1x40x128xi32, #tpu.memory_space<hbm>>
          %dma_wait3A_63 = tpu.memref_squeeze %dma_wait3A_62 : memref<1x40x128xi32, #tpu.memory_space<hbm>> -> memref<40x128xi32, #tpu.memory_space<hbm>>
          tpu.wait_dma2 semaphore(%run_scoped3A : memref<!tpu.dma_semaphore, #tpu.memory_space<semaphore_mem>>) src(%dma_wait3A_63 : memref<40x128xi32, #tpu.memory_space<hbm>>) dst(%arg12 : memref<40x128xi32, #tpu.memory_space<vmem>>)
          tpu.yield
        }) : () -> ()
        %dma_start3A = arith.constant 0 : i32
        %dma_start3A_33 = arith.constant 0 : i32
        %dma_start3A_34 = tpu.memref_slice %arg11[%dma_start3A, %dma_start3A_33] : memref<40x128xi32, #tpu.memory_space<vmem>> -> memref<1x128xi32, #tpu.memory_space<vmem>>
        %dma_start3A_35 = tpu.memref_squeeze %dma_start3A_34 : memref<1x128xi32, #tpu.memory_space<vmem>> -> memref<128xi32, #tpu.memory_space<vmem>>
        %dma_start3A_36 = arith.constant 0 : i32
        %dma_start3A_37 = arith.constant 0 : i32
        %dma_start3A_38 = tpu.memref_slice %arg3[%dma_start3A_36, %dma_start3A_37] : memref<10240x128xf32, #tpu.memory_space<hbm>> -> memref<10240x128xf32, #tpu.memory_space<hbm>>
        tpu.enqueue_indirect_dma source(%dma_start3A_38 : memref<10240x128xf32, #tpu.memory_space<hbm>>) target(%arg13 : memref<128x128xf32, #tpu.memory_space<vmem>>) offsets(%dma_start3A_35 : memref<128xi32, #tpu.memory_space<vmem>>) semaphore(%arg16 : memref<!tpu.dma_semaphore, #tpu.memory_space<semaphore_mem>>)
        %dma_start3A_39 = arith.constant 1 : i32
        %dma_start3A_40 = arith.constant 0 : i32
        %dma_start3A_41 = tpu.memref_slice %arg11[%dma_start3A_39, %dma_start3A_40] : memref<40x128xi32, #tpu.memory_space<vmem>> -> memref<1x128xi32, #tpu.memory_space<vmem>>
        %dma_start3A_42 = tpu.memref_squeeze %dma_start3A_41 : memref<1x128xi32, #tpu.memory_space<vmem>> -> memref<128xi32, #tpu.memory_space<vmem>>
        %dma_start3A_43 = arith.constant 0 : i32
        %dma_start3A_44 = arith.constant 0 : i32
        %dma_start3A_45 = tpu.memref_slice %arg3[%dma_start3A_43, %dma_start3A_44] : memref<10240x128xf32, #tpu.memory_space<hbm>> -> memref<10240x128xf32, #tpu.memory_space<hbm>>
        tpu.enqueue_indirect_dma source(%dma_start3A_45 : memref<10240x128xf32, #tpu.memory_space<hbm>>) target(%arg14 : memref<128x128xf32, #tpu.memory_space<vmem>>) offsets(%dma_start3A_42 : memref<128xi32, #tpu.memory_space<vmem>>) semaphore(%arg17 : memref<!tpu.dma_semaphore, #tpu.memory_space<semaphore_mem>>)
        %scan3A_46 = arith.constant 0 : i32
        %scan3A_47 = arith.constant 1 : i32
        %scan3A_48 = arith.constant 0 : i32
        %scan3A_49 = arith.constant 20 : i32
        %scan3A_50 = arith.addi %scan3A_48, %scan3A_49 : i32
        %scan3A_51 = arith.constant 1 : i32
        scf.for %scan3A_53 = %scan3A_48 to %scan3A_50 step %scan3A_51  : i32 {
          %mul3A_54 = arith.constant 2 : i32
          %mul3A_55 = arith.muli %scan3A_53, %mul3A_54 : i32
          %add3A_56 = arith.constant 0 : i32
          %add3A_57 = arith.addi %add3A_56, %mul3A_55 : i32
          %dma_wait3A = arith.constant 0 : i32
          %dma_wait3A_58 = tpu.memref_slice %arg11[%scan3A_46, %dma_wait3A] : memref<40x128xi32, #tpu.memory_space<vmem>> -> memref<1x128xi32, #tpu.memory_space<vmem>>
          %dma_wait3A_59 = tpu.memref_squeeze %dma_wait3A_58 : memref<1x128xi32, #tpu.memory_space<vmem>> -> memref<128xi32, #tpu.memory_space<vmem>>
          %dma_wait3A_60 = arith.constant 0 : i32
          %dma_wait3A_61 = arith.constant 0 : i32
          %dma_wait3A_62 = tpu.memref_slice %arg3[%dma_wait3A_60, %dma_wait3A_61] : memref<10240x128xf32, #tpu.memory_space<hbm>> -> memref<10240x128xf32, #tpu.memory_space<hbm>>
          tpu.wait_indirect_dma semaphore(%arg16 : memref<!tpu.dma_semaphore, #tpu.memory_space<semaphore_mem>>) src(%dma_wait3A_62 : memref<10240x128xf32, #tpu.memory_space<hbm>>) dst(%arg13 : memref<128x128xf32, #tpu.memory_space<vmem>>)
          "tpu.region"() ({
            %run_scoped3A = tpu.sem_alloc : memref<!tpu.dma_semaphore, #tpu.memory_space<semaphore_mem>>
            %dma_start3A_84 = arith.constant 0 : i32
            %dma_start3A_85 = tpu.memref_slice %arg12[%add3A_57, %dma_start3A_84] : memref<40x128xi32, #tpu.memory_space<vmem>> -> memref<1x128xi32, #tpu.memory_space<vmem>>
            %dma_start3A_86 = tpu.memref_squeeze %dma_start3A_85 : memref<1x128xi32, #tpu.memory_space<vmem>> -> memref<128xi32, #tpu.memory_space<vmem>>
            %dma_start3A_87 = arith.constant 0 : i32
            %dma_start3A_88 = arith.constant 0 : i32
            %dma_start3A_89 = tpu.memref_slice %arg15[%dma_start3A_87, %dma_start3A_88] : memref<10240x128xf32, #tpu.memory_space<vmem_shared>> -> memref<10240x128xf32, #tpu.memory_space<vmem_shared>>
            tpu.enqueue_indirect_dma source(%arg13 : memref<128x128xf32, #tpu.memory_space<vmem>>) target(%dma_start3A_89 : memref<10240x128xf32, #tpu.memory_space<vmem_shared>>) offsets(%dma_start3A_86 : memref<128xi32, #tpu.memory_space<vmem>>) semaphore(%run_scoped3A : memref<!tpu.dma_semaphore, #tpu.memory_space<semaphore_mem>>) {add = true}
            %dma_wait3A_90 = arith.constant 0 : i32
            %dma_wait3A_91 = tpu.memref_slice %arg12[%add3A_57, %dma_wait3A_90] : memref<40x128xi32, #tpu.memory_space<vmem>> -> memref<1x128xi32, #tpu.memory_space<vmem>>
            %dma_wait3A_92 = tpu.memref_squeeze %dma_wait3A_91 : memref<1x128xi32, #tpu.memory_space<vmem>> -> memref<128xi32, #tpu.memory_space<vmem>>
            %dma_wait3A_93 = arith.constant 0 : i32
            %dma_wait3A_94 = arith.constant 0 : i32
            %dma_wait3A_95 = tpu.memref_slice %arg15[%dma_wait3A_93, %dma_wait3A_94] : memref<10240x128xf32, #tpu.memory_space<vmem_shared>> -> memref<10240x128xf32, #tpu.memory_space<vmem_shared>>
            tpu.wait_indirect_dma semaphore(%run_scoped3A : memref<!tpu.dma_semaphore, #tpu.memory_space<semaphore_mem>>) src(%arg13 : memref<128x128xf32, #tpu.memory_space<vmem>>) dst(%dma_wait3A_95 : memref<10240x128xf32, #tpu.memory_space<vmem_shared>>)
            tpu.yield
          }) : () -> ()
          %add3A_63 = arith.constant 2 : i32
          %add3A_64 = arith.addi %add3A_57, %add3A_63 : i32
          %lt3A = arith.constant 40 : i32
          %lt3A_65 = arith.cmpi slt, %add3A_64, %lt3A : i32
          %convert_element_type3A_66 = arith.extui %lt3A_65 : i1 to i32
          %cond3A_67 = arith.constant 0 : i32
          %cond3A_68 = arith.cmpi ne, %convert_element_type3A_66, %cond3A_67 : i32
          scf.if %cond3A_68 {
            %add3A_84 = arith.constant 2 : i32
            %add3A_85 = arith.addi %add3A_57, %add3A_84 : i32
            %dma_start3A_86 = arith.constant 0 : i32
            %dma_start3A_87 = tpu.memref_slice %arg11[%add3A_85, %dma_start3A_86] : memref<40x128xi32, #tpu.memory_space<vmem>> -> memref<1x128xi32, #tpu.memory_space<vmem>>
            %dma_start3A_88 = tpu.memref_squeeze %dma_start3A_87 : memref<1x128xi32, #tpu.memory_space<vmem>> -> memref<128xi32, #tpu.memory_space<vmem>>
            %dma_start3A_89 = arith.constant 0 : i32
            %dma_start3A_90 = arith.constant 0 : i32
            %dma_start3A_91 = tpu.memref_slice %arg3[%dma_start3A_89, %dma_start3A_90] : memref<10240x128xf32, #tpu.memory_space<hbm>> -> memref<10240x128xf32, #tpu.memory_space<hbm>>
            tpu.enqueue_indirect_dma source(%dma_start3A_91 : memref<10240x128xf32, #tpu.memory_space<hbm>>) target(%arg13 : memref<128x128xf32, #tpu.memory_space<vmem>>) offsets(%dma_start3A_88 : memref<128xi32, #tpu.memory_space<vmem>>) semaphore(%arg16 : memref<!tpu.dma_semaphore, #tpu.memory_space<semaphore_mem>>)
          } else {
          }
          %dma_wait3A_69 = arith.constant 0 : i32
          %dma_wait3A_70 = tpu.memref_slice %arg11[%scan3A_47, %dma_wait3A_69] : memref<40x128xi32, #tpu.memory_space<vmem>> -> memref<1x128xi32, #tpu.memory_space<vmem>>
          %dma_wait3A_71 = tpu.memref_squeeze %dma_wait3A_70 : memref<1x128xi32, #tpu.memory_space<vmem>> -> memref<128xi32, #tpu.memory_space<vmem>>
          %dma_wait3A_72 = arith.constant 0 : i32
          %dma_wait3A_73 = arith.constant 0 : i32
          %dma_wait3A_74 = tpu.memref_slice %arg3[%dma_wait3A_72, %dma_wait3A_73] : memref<10240x128xf32, #tpu.memory_space<hbm>> -> memref<10240x128xf32, #tpu.memory_space<hbm>>
          tpu.wait_indirect_dma semaphore(%arg17 : memref<!tpu.dma_semaphore, #tpu.memory_space<semaphore_mem>>) src(%dma_wait3A_74 : memref<10240x128xf32, #tpu.memory_space<hbm>>) dst(%arg14 : memref<128x128xf32, #tpu.memory_space<vmem>>)
          %add3A_75 = arith.constant 1 : i32
          %add3A_76 = arith.addi %add3A_57, %add3A_75 : i32
          "tpu.region"() ({
            %run_scoped3A = tpu.sem_alloc : memref<!tpu.dma_semaphore, #tpu.memory_space<semaphore_mem>>
            %dma_start3A_84 = arith.constant 0 : i32
            %dma_start3A_85 = tpu.memref_slice %arg12[%add3A_76, %dma_start3A_84] : memref<40x128xi32, #tpu.memory_space<vmem>> -> memref<1x128xi32, #tpu.memory_space<vmem>>
            %dma_start3A_86 = tpu.memref_squeeze %dma_start3A_85 : memref<1x128xi32, #tpu.memory_space<vmem>> -> memref<128xi32, #tpu.memory_space<vmem>>
            %dma_start3A_87 = arith.constant 0 : i32
            %dma_start3A_88 = arith.constant 0 : i32
            %dma_start3A_89 = tpu.memref_slice %arg15[%dma_start3A_87, %dma_start3A_88] : memref<10240x128xf32, #tpu.memory_space<vmem_shared>> -> memref<10240x128xf32, #tpu.memory_space<vmem_shared>>
            tpu.enqueue_indirect_dma source(%arg14 : memref<128x128xf32, #tpu.memory_space<vmem>>) target(%dma_start3A_89 : memref<10240x128xf32, #tpu.memory_space<vmem_shared>>) offsets(%dma_start3A_86 : memref<128xi32, #tpu.memory_space<vmem>>) semaphore(%run_scoped3A : memref<!tpu.dma_semaphore, #tpu.memory_space<semaphore_mem>>) {add = true}
            %dma_wait3A_90 = arith.constant 0 : i32
            %dma_wait3A_91 = tpu.memref_slice %arg12[%add3A_76, %dma_wait3A_90] : memref<40x128xi32, #tpu.memory_space<vmem>> -> memref<1x128xi32, #tpu.memory_space<vmem>>
            %dma_wait3A_92 = tpu.memref_squeeze %dma_wait3A_91 : memref<1x128xi32, #tpu.memory_space<vmem>> -> memref<128xi32, #tpu.memory_space<vmem>>
            %dma_wait3A_93 = arith.constant 0 : i32
            %dma_wait3A_94 = arith.constant 0 : i32
            %dma_wait3A_95 = tpu.memref_slice %arg15[%dma_wait3A_93, %dma_wait3A_94] : memref<10240x128xf32, #tpu.memory_space<vmem_shared>> -> memref<10240x128xf32, #tpu.memory_space<vmem_shared>>
            tpu.wait_indirect_dma semaphore(%run_scoped3A : memref<!tpu.dma_semaphore, #tpu.memory_space<semaphore_mem>>) src(%arg14 : memref<128x128xf32, #tpu.memory_space<vmem>>) dst(%dma_wait3A_95 : memref<10240x128xf32, #tpu.memory_space<vmem_shared>>)
            tpu.yield
          }) : () -> ()
          %add3A_77 = arith.constant 3 : i32
          %add3A_78 = arith.addi %add3A_57, %add3A_77 : i32
          %lt3A_79 = arith.constant 40 : i32
          %lt3A_80 = arith.cmpi slt, %add3A_78, %lt3A_79 : i32
          %convert_element_type3A_81 = arith.extui %lt3A_80 : i1 to i32
          %cond3A_82 = arith.constant 0 : i32
          %cond3A_83 = arith.cmpi ne, %convert_element_type3A_81, %cond3A_82 : i32
          scf.if %cond3A_83 {
            %add3A_84 = arith.constant 3 : i32
            %add3A_85 = arith.addi %add3A_57, %add3A_84 : i32
            %dma_start3A_86 = arith.constant 0 : i32
            %dma_start3A_87 = tpu.memref_slice %arg11[%add3A_85, %dma_start3A_86] : memref<40x128xi32, #tpu.memory_space<vmem>> -> memref<1x128xi32, #tpu.memory_space<vmem>>
            %dma_start3A_88 = tpu.memref_squeeze %dma_start3A_87 : memref<1x128xi32, #tpu.memory_space<vmem>> -> memref<128xi32, #tpu.memory_space<vmem>>
            %dma_start3A_89 = arith.constant 0 : i32
            %dma_start3A_90 = arith.constant 0 : i32
            %dma_start3A_91 = tpu.memref_slice %arg3[%dma_start3A_89, %dma_start3A_90] : memref<10240x128xf32, #tpu.memory_space<hbm>> -> memref<10240x128xf32, #tpu.memory_space<hbm>>
            tpu.enqueue_indirect_dma source(%dma_start3A_91 : memref<10240x128xf32, #tpu.memory_space<hbm>>) target(%arg14 : memref<128x128xf32, #tpu.memory_space<vmem>>) offsets(%dma_start3A_88 : memref<128xi32, #tpu.memory_space<vmem>>) semaphore(%arg17 : memref<!tpu.dma_semaphore, #tpu.memory_space<semaphore_mem>>)
          } else {
          }
        }
        %scan3A_52 = arith.constant 20 : i32
      }
      %scan3A_24 = arith.constant 4 : i32
    } else {
    }
    %barrier3A_10 = arith.constant 0 : index
    tpu.barrier barrier_id(%barrier3A_10)
    %eq3A_11 = arith.constant 0 : i32
    %eq3A_12 = arith.cmpi eq, %arg0, %eq3A_11 : i32
    %convert_element_type3A_13 = arith.extui %eq3A_12 : i1 to i32
    %cond3A_14 = arith.constant 0 : i32
    %cond3A_15 = arith.cmpi ne, %convert_element_type3A_13, %cond3A_14 : i32
    scf.if %cond3A_15 {
      %mul3A_21 = arith.constant 640 : i32
      %mul3A_22 = arith.muli %arg1, %mul3A_21 : i32
      %mul3A_23 = arith.constant 640 : i32
      %mul3A_24 = arith.muli %arg1, %mul3A_23 : i32
      "tpu.region"() ({
        %run_scoped3A = tpu.sem_alloc : memref<!tpu.dma_semaphore, #tpu.memory_space<semaphore_mem>>
        %dma_start3A = arith.constant 0 : i32
        %dma_start3A_25 = tpu.memref_slice %arg9[%mul3A_24, %dma_start3A] : memref<10240x128xf32, #tpu.memory_space<hbm>> -> memref<640x128xf32, #tpu.memory_space<hbm>>
        %dma_start3A_26 = arith.constant 0 : i32
        %dma_start3A_27 = tpu.memref_slice %arg15[%mul3A_22, %dma_start3A_26] : memref<10240x128xf32, #tpu.memory_space<vmem_shared>> -> memref<640x128xf32, #tpu.memory_space<vmem_shared>>
        tpu.enqueue_dma source(%dma_start3A_27 : memref<640x128xf32, #tpu.memory_space<vmem_shared>>) target(%dma_start3A_25 : memref<640x128xf32, #tpu.memory_space<hbm>>) target_semaphore(%run_scoped3A : memref<!tpu.dma_semaphore, #tpu.memory_space<semaphore_mem>>)
        %dma_wait3A = arith.constant 0 : i32
        %dma_wait3A_28 = tpu.memref_slice %arg9[%mul3A_24, %dma_wait3A] : memref<10240x128xf32, #tpu.memory_space<hbm>> -> memref<640x128xf32, #tpu.memory_space<hbm>>
        %dma_wait3A_29 = arith.constant 0 : i32
        %dma_wait3A_30 = tpu.memref_slice %arg15[%mul3A_22, %dma_wait3A_29] : memref<10240x128xf32, #tpu.memory_space<vmem_shared>> -> memref<640x128xf32, #tpu.memory_space<vmem_shared>>
        tpu.wait_dma2 semaphore(%run_scoped3A : memref<!tpu.dma_semaphore, #tpu.memory_space<semaphore_mem>>) src(%dma_wait3A_30 : memref<640x128xf32, #tpu.memory_space<vmem_shared>>) dst(%dma_wait3A_28 : memref<640x128xf32, #tpu.memory_space<hbm>>)
        tpu.yield
      }) : () -> ()
    } else {
    }
    %eq3A_16 = arith.constant 1 : i32
    %eq3A_17 = arith.cmpi eq, %arg0, %eq3A_16 : i32
    %convert_element_type3A_18 = arith.extui %eq3A_17 : i1 to i32
    %cond3A_19 = arith.constant 0 : i32
    %cond3A_20 = arith.cmpi ne, %convert_element_type3A_18, %cond3A_19 : i32
    scf.if %cond3A_20 {
      %mul3A_21 = arith.constant 640 : i32
      %mul3A_22 = arith.muli %arg1, %mul3A_21 : i32
      %mul3A_23 = arith.constant 640 : i32
      %mul3A_24 = arith.muli %arg1, %mul3A_23 : i32
      "tpu.region"() ({
        %run_scoped3A = tpu.sem_alloc : memref<!tpu.dma_semaphore, #tpu.memory_space<semaphore_mem>>
        %dma_start3A = arith.constant 0 : i32
        %dma_start3A_25 = tpu.memref_slice %arg10[%mul3A_24, %dma_start3A] : memref<10240x128xf32, #tpu.memory_space<hbm>> -> memref<640x128xf32, #tpu.memory_space<hbm>>
        %dma_start3A_26 = arith.constant 0 : i32
        %dma_start3A_27 = tpu.memref_slice %arg15[%mul3A_22, %dma_start3A_26] : memref<10240x128xf32, #tpu.memory_space<vmem_shared>> -> memref<640x128xf32, #tpu.memory_space<vmem_shared>>
        tpu.enqueue_dma source(%dma_start3A_27 : memref<640x128xf32, #tpu.memory_space<vmem_shared>>) target(%dma_start3A_25 : memref<640x128xf32, #tpu.memory_space<hbm>>) target_semaphore(%run_scoped3A : memref<!tpu.dma_semaphore, #tpu.memory_space<semaphore_mem>>)
        %dma_wait3A = arith.constant 0 : i32
        %dma_wait3A_28 = tpu.memref_slice %arg10[%mul3A_24, %dma_wait3A] : memref<10240x128xf32, #tpu.memory_space<hbm>> -> memref<640x128xf32, #tpu.memory_space<hbm>>
        %dma_wait3A_29 = arith.constant 0 : i32
        %dma_wait3A_30 = tpu.memref_slice %arg15[%mul3A_22, %dma_wait3A_29] : memref<10240x128xf32, #tpu.memory_space<vmem_shared>> -> memref<640x128xf32, #tpu.memory_space<vmem_shared>>
        tpu.wait_dma2 semaphore(%run_scoped3A : memref<!tpu.dma_semaphore, #tpu.memory_space<semaphore_mem>>) src(%dma_wait3A_30 : memref<640x128xf32, #tpu.memory_space<vmem_shared>>) dst(%dma_wait3A_28 : memref<640x128xf32, #tpu.memory_space<hbm>>)
        tpu.yield
      }) : () -> ()
    } else {
    }
    return
  }
}

#map = affine_map<(d0, d1) -> (0, 0)>
module attributes {stable_mosaic.version = 14 : i64} {
  func.func @_deg_kernel(%arg0: i32, %arg1: i32, %arg2: memref<16x20480xi32, #tpu.memory_space<hbm>>, %arg3: memref<16x20480xi32, #tpu.memory_space<hbm>>, %arg4: memref<16x10240xf32, #tpu.memory_space<hbm>>, %arg5: memref<16x10240xf32, #tpu.memory_space<hbm>>, %arg6: memref<20480xi32, #tpu.memory_space<vmem>>, %arg7: memref<10240xf32, #tpu.memory_space<vmem>>) attributes {dimension_semantics = [#tpu.dimension_semantics<core_parallel>, #tpu.dimension_semantics<subcore_parallel>], iteration_bounds = array<i64: 2, 16>, scalar_prefetch = 0 : i64, scratch_operands = 2 : i64, tpu.core_type = #tpu.core_type<sc_vector_subcore>, window_params = [{transform_indices = #map}, {transform_indices = #map}, {transform_indices = #map}, {transform_indices = #map}]} {
    %broadcast_in_dim3A = arith.constant 0.000000e+00 : f32
    %broadcast_in_dim3A_0 = vector.broadcast %broadcast_in_dim3A : f32 to vector<16xf32>
    %broadcast_in_dim3A_1 = arith.constant 1.000000e+00 : f32
    %broadcast_in_dim3A_2 = vector.broadcast %broadcast_in_dim3A_1 : f32 to vector<16xf32>
    %scan3A = arith.constant 0 : i32
    %scan3A_3 = arith.constant 640 : i32
    %scan3A_4 = arith.addi %scan3A, %scan3A_3 : i32
    %scan3A_5 = arith.constant 1 : i32
    scf.for %scan3A_14 = %scan3A to %scan3A_4 step %scan3A_5  : i32 {
      %mul3A = arith.constant 1 : i32
      %mul3A_15 = arith.muli %scan3A_14, %mul3A : i32
      %add3A = arith.constant 0 : i32
      %add3A_16 = arith.addi %add3A, %mul3A_15 : i32
      %mul3A_17 = arith.constant 16 : i32
      %mul3A_18 = arith.muli %add3A_16, %mul3A_17 : i32
      %swap3A = arith.index_cast %mul3A_18 : i32 to index
      %swap3A_19 = tpu.vector_load %arg7[%swap3A] {strides = array<i32>} : memref<10240xf32, #tpu.memory_space<vmem>>, vector<16xf32>,
      tpu.vector_store %arg7[%swap3A], %broadcast_in_dim3A_0 {strides = array<i32>} : memref<10240xf32, #tpu.memory_space<vmem>>, vector<16xf32>,
    }
    %scan3A_6 = arith.constant 640 : i32
    %eq3A = arith.constant 0 : i32
    %eq3A_7 = arith.cmpi eq, %arg0, %eq3A : i32
    %convert_element_type3A = arith.extui %eq3A_7 : i1 to i32
    %cond3A = arith.constant 0 : i32
    %cond3A_8 = arith.cmpi ne, %convert_element_type3A, %cond3A : i32
    scf.if %cond3A_8 {
      "tpu.region"() ({
        %run_scoped3A = tpu.sem_alloc : memref<!tpu.dma_semaphore, #tpu.memory_space<semaphore_mem>>
        %dma_start3A = arith.constant 0 : i32
        %dma_start3A_19 = tpu.memref_slice %arg2[%arg1, %dma_start3A] : memref<16x20480xi32, #tpu.memory_space<hbm>> -> memref<1x20480xi32, #tpu.memory_space<hbm>>
        %dma_start3A_20 = tpu.memref_squeeze %dma_start3A_19 : memref<1x20480xi32, #tpu.memory_space<hbm>> -> memref<20480xi32, #tpu.memory_space<hbm>>
        %dma_start3A_21 = arith.constant 0 : i32
        %dma_start3A_22 = tpu.memref_slice %arg2[%arg1, %dma_start3A_21] : memref<16x20480xi32, #tpu.memory_space<hbm>> -> memref<1x20480xi32, #tpu.memory_space<hbm>>
        %dma_start3A_23 = tpu.memref_squeeze %dma_start3A_22 : memref<1x20480xi32, #tpu.memory_space<hbm>> -> memref<20480xi32, #tpu.memory_space<hbm>>
        tpu.enqueue_dma source(%dma_start3A_23 : memref<20480xi32, #tpu.memory_space<hbm>>) target(%arg6 : memref<20480xi32, #tpu.memory_space<vmem>>) target_semaphore(%run_scoped3A : memref<!tpu.dma_semaphore, #tpu.memory_space<semaphore_mem>>)
        %dma_wait3A = arith.constant 0 : i32
        %dma_wait3A_24 = tpu.memref_slice %arg2[%arg1, %dma_wait3A] : memref<16x20480xi32, #tpu.memory_space<hbm>> -> memref<1x20480xi32, #tpu.memory_space<hbm>>
        %dma_wait3A_25 = tpu.memref_squeeze %dma_wait3A_24 : memref<1x20480xi32, #tpu.memory_space<hbm>> -> memref<20480xi32, #tpu.memory_space<hbm>>
        %dma_wait3A_26 = arith.constant 0 : i32
        %dma_wait3A_27 = tpu.memref_slice %arg2[%arg1, %dma_wait3A_26] : memref<16x20480xi32, #tpu.memory_space<hbm>> -> memref<1x20480xi32, #tpu.memory_space<hbm>>
        %dma_wait3A_28 = tpu.memref_squeeze %dma_wait3A_27 : memref<1x20480xi32, #tpu.memory_space<hbm>> -> memref<20480xi32, #tpu.memory_space<hbm>>
        tpu.wait_dma2 semaphore(%run_scoped3A : memref<!tpu.dma_semaphore, #tpu.memory_space<semaphore_mem>>) src(%dma_wait3A_28 : memref<20480xi32, #tpu.memory_space<hbm>>) dst(%arg6 : memref<20480xi32, #tpu.memory_space<vmem>>)
        tpu.yield
      }) : () -> ()
      %scan3A_14 = arith.constant 0 : i32
      %scan3A_15 = arith.constant 1280 : i32
      %scan3A_16 = arith.addi %scan3A_14, %scan3A_15 : i32
      %scan3A_17 = arith.constant 1 : i32
      scf.for %scan3A_19 = %scan3A_14 to %scan3A_16 step %scan3A_17  : i32 {
        %mul3A = arith.constant 1 : i32
        %mul3A_20 = arith.muli %scan3A_19, %mul3A : i32
        %add3A = arith.constant 0 : i32
        %add3A_21 = arith.addi %add3A, %mul3A_20 : i32
        %mul3A_22 = arith.constant 16 : i32
        %mul3A_23 = arith.muli %add3A_21, %mul3A_22 : i32
        %get3A = arith.index_cast %mul3A_23 : i32 to index
        %get3A_24 = tpu.vector_load %arg6[%get3A] {strides = array<i32>} : memref<20480xi32, #tpu.memory_space<vmem>>, vector<16xi32>,
        tpu.vector_store_idx %arg7[%get3A_24], %broadcast_in_dim3A_2 {add = true} : memref<10240xf32, #tpu.memory_space<vmem>>[vector<16xi32>], vector<16xf32>,
      }
      %scan3A_18 = arith.constant 1280 : i32
      "tpu.region"() ({
        %run_scoped3A = tpu.sem_alloc : memref<!tpu.dma_semaphore, #tpu.memory_space<semaphore_mem>>
        %dma_start3A = arith.constant 0 : i32
        %dma_start3A_19 = tpu.memref_slice %arg4[%arg1, %dma_start3A] : memref<16x10240xf32, #tpu.memory_space<hbm>> -> memref<1x10240xf32, #tpu.memory_space<hbm>>
        %dma_start3A_20 = tpu.memref_squeeze %dma_start3A_19 : memref<1x10240xf32, #tpu.memory_space<hbm>> -> memref<10240xf32, #tpu.memory_space<hbm>>
        %dma_start3A_21 = arith.constant 0 : i32
        %dma_start3A_22 = tpu.memref_slice %arg4[%arg1, %dma_start3A_21] : memref<16x10240xf32, #tpu.memory_space<hbm>> -> memref<1x10240xf32, #tpu.memory_space<hbm>>
        %dma_start3A_23 = tpu.memref_squeeze %dma_start3A_22 : memref<1x10240xf32, #tpu.memory_space<hbm>> -> memref<10240xf32, #tpu.memory_space<hbm>>
        tpu.enqueue_dma source(%arg7 : memref<10240xf32, #tpu.memory_space<vmem>>) target(%dma_start3A_23 : memref<10240xf32, #tpu.memory_space<hbm>>) target_semaphore(%run_scoped3A : memref<!tpu.dma_semaphore, #tpu.memory_space<semaphore_mem>>)
        %dma_wait3A = arith.constant 0 : i32
        %dma_wait3A_24 = tpu.memref_slice %arg4[%arg1, %dma_wait3A] : memref<16x10240xf32, #tpu.memory_space<hbm>> -> memref<1x10240xf32, #tpu.memory_space<hbm>>
        %dma_wait3A_25 = tpu.memref_squeeze %dma_wait3A_24 : memref<1x10240xf32, #tpu.memory_space<hbm>> -> memref<10240xf32, #tpu.memory_space<hbm>>
        %dma_wait3A_26 = arith.constant 0 : i32
        %dma_wait3A_27 = tpu.memref_slice %arg4[%arg1, %dma_wait3A_26] : memref<16x10240xf32, #tpu.memory_space<hbm>> -> memref<1x10240xf32, #tpu.memory_space<hbm>>
        %dma_wait3A_28 = tpu.memref_squeeze %dma_wait3A_27 : memref<1x10240xf32, #tpu.memory_space<hbm>> -> memref<10240xf32, #tpu.memory_space<hbm>>
        tpu.wait_dma2 semaphore(%run_scoped3A : memref<!tpu.dma_semaphore, #tpu.memory_space<semaphore_mem>>) src(%arg7 : memref<10240xf32, #tpu.memory_space<vmem>>) dst(%dma_wait3A_28 : memref<10240xf32, #tpu.memory_space<hbm>>)
        tpu.yield
      }) : () -> ()
    } else {
    }
    %eq3A_9 = arith.constant 1 : i32
    %eq3A_10 = arith.cmpi eq, %arg0, %eq3A_9 : i32
    %convert_element_type3A_11 = arith.extui %eq3A_10 : i1 to i32
    %cond3A_12 = arith.constant 0 : i32
    %cond3A_13 = arith.cmpi ne, %convert_element_type3A_11, %cond3A_12 : i32
    scf.if %cond3A_13 {
      "tpu.region"() ({
        %run_scoped3A = tpu.sem_alloc : memref<!tpu.dma_semaphore, #tpu.memory_space<semaphore_mem>>
        %dma_start3A = arith.constant 0 : i32
        %dma_start3A_19 = tpu.memref_slice %arg3[%arg1, %dma_start3A] : memref<16x20480xi32, #tpu.memory_space<hbm>> -> memref<1x20480xi32, #tpu.memory_space<hbm>>
        %dma_start3A_20 = tpu.memref_squeeze %dma_start3A_19 : memref<1x20480xi32, #tpu.memory_space<hbm>> -> memref<20480xi32, #tpu.memory_space<hbm>>
        %dma_start3A_21 = arith.constant 0 : i32
        %dma_start3A_22 = tpu.memref_slice %arg3[%arg1, %dma_start3A_21] : memref<16x20480xi32, #tpu.memory_space<hbm>> -> memref<1x20480xi32, #tpu.memory_space<hbm>>
        %dma_start3A_23 = tpu.memref_squeeze %dma_start3A_22 : memref<1x20480xi32, #tpu.memory_space<hbm>> -> memref<20480xi32, #tpu.memory_space<hbm>>
        tpu.enqueue_dma source(%dma_start3A_23 : memref<20480xi32, #tpu.memory_space<hbm>>) target(%arg6 : memref<20480xi32, #tpu.memory_space<vmem>>) target_semaphore(%run_scoped3A : memref<!tpu.dma_semaphore, #tpu.memory_space<semaphore_mem>>)
        %dma_wait3A = arith.constant 0 : i32
        %dma_wait3A_24 = tpu.memref_slice %arg3[%arg1, %dma_wait3A] : memref<16x20480xi32, #tpu.memory_space<hbm>> -> memref<1x20480xi32, #tpu.memory_space<hbm>>
        %dma_wait3A_25 = tpu.memref_squeeze %dma_wait3A_24 : memref<1x20480xi32, #tpu.memory_space<hbm>> -> memref<20480xi32, #tpu.memory_space<hbm>>
        %dma_wait3A_26 = arith.constant 0 : i32
        %dma_wait3A_27 = tpu.memref_slice %arg3[%arg1, %dma_wait3A_26] : memref<16x20480xi32, #tpu.memory_space<hbm>> -> memref<1x20480xi32, #tpu.memory_space<hbm>>
        %dma_wait3A_28 = tpu.memref_squeeze %dma_wait3A_27 : memref<1x20480xi32, #tpu.memory_space<hbm>> -> memref<20480xi32, #tpu.memory_space<hbm>>
        tpu.wait_dma2 semaphore(%run_scoped3A : memref<!tpu.dma_semaphore, #tpu.memory_space<semaphore_mem>>) src(%dma_wait3A_28 : memref<20480xi32, #tpu.memory_space<hbm>>) dst(%arg6 : memref<20480xi32, #tpu.memory_space<vmem>>)
        tpu.yield
      }) : () -> ()
      %scan3A_14 = arith.constant 0 : i32
      %scan3A_15 = arith.constant 1280 : i32
      %scan3A_16 = arith.addi %scan3A_14, %scan3A_15 : i32
      %scan3A_17 = arith.constant 1 : i32
      scf.for %scan3A_19 = %scan3A_14 to %scan3A_16 step %scan3A_17  : i32 {
        %mul3A = arith.constant 1 : i32
        %mul3A_20 = arith.muli %scan3A_19, %mul3A : i32
        %add3A = arith.constant 0 : i32
        %add3A_21 = arith.addi %add3A, %mul3A_20 : i32
        %mul3A_22 = arith.constant 16 : i32
        %mul3A_23 = arith.muli %add3A_21, %mul3A_22 : i32
        %get3A = arith.index_cast %mul3A_23 : i32 to index
        %get3A_24 = tpu.vector_load %arg6[%get3A] {strides = array<i32>} : memref<20480xi32, #tpu.memory_space<vmem>>, vector<16xi32>,
        tpu.vector_store_idx %arg7[%get3A_24], %broadcast_in_dim3A_2 {add = true} : memref<10240xf32, #tpu.memory_space<vmem>>[vector<16xi32>], vector<16xf32>,
      }
      %scan3A_18 = arith.constant 1280 : i32
      "tpu.region"() ({
        %run_scoped3A = tpu.sem_alloc : memref<!tpu.dma_semaphore, #tpu.memory_space<semaphore_mem>>
        %dma_start3A = arith.constant 0 : i32
        %dma_start3A_19 = tpu.memref_slice %arg5[%arg1, %dma_start3A] : memref<16x10240xf32, #tpu.memory_space<hbm>> -> memref<1x10240xf32, #tpu.memory_space<hbm>>
        %dma_start3A_20 = tpu.memref_squeeze %dma_start3A_19 : memref<1x10240xf32, #tpu.memory_space<hbm>> -> memref<10240xf32, #tpu.memory_space<hbm>>
        %dma_start3A_21 = arith.constant 0 : i32
        %dma_start3A_22 = tpu.memref_slice %arg5[%arg1, %dma_start3A_21] : memref<16x10240xf32, #tpu.memory_space<hbm>> -> memref<1x10240xf32, #tpu.memory_space<hbm>>
        %dma_start3A_23 = tpu.memref_squeeze %dma_start3A_22 : memref<1x10240xf32, #tpu.memory_space<hbm>> -> memref<10240xf32, #tpu.memory_space<hbm>>
        tpu.enqueue_dma source(%arg7 : memref<10240xf32, #tpu.memory_space<vmem>>) target(%dma_start3A_23 : memref<10240xf32, #tpu.memory_space<hbm>>) target_semaphore(%run_scoped3A : memref<!tpu.dma_semaphore, #tpu.memory_space<semaphore_mem>>)
        %dma_wait3A = arith.constant 0 : i32
        %dma_wait3A_24 = tpu.memref_slice %arg5[%arg1, %dma_wait3A] : memref<16x10240xf32, #tpu.memory_space<hbm>> -> memref<1x10240xf32, #tpu.memory_space<hbm>>
        %dma_wait3A_25 = tpu.memref_squeeze %dma_wait3A_24 : memref<1x10240xf32, #tpu.memory_space<hbm>> -> memref<10240xf32, #tpu.memory_space<hbm>>
        %dma_wait3A_26 = arith.constant 0 : i32
        %dma_wait3A_27 = tpu.memref_slice %arg5[%arg1, %dma_wait3A_26] : memref<16x10240xf32, #tpu.memory_space<hbm>> -> memref<1x10240xf32, #tpu.memory_space<hbm>>
        %dma_wait3A_28 = tpu.memref_squeeze %dma_wait3A_27 : memref<1x10240xf32, #tpu.memory_space<hbm>> -> memref<10240xf32, #tpu.memory_space<hbm>>
        tpu.wait_dma2 semaphore(%run_scoped3A : memref<!tpu.dma_semaphore, #tpu.memory_space<semaphore_mem>>) src(%arg7 : memref<10240xf32, #tpu.memory_space<vmem>>) dst(%dma_wait3A_28 : memref<10240xf32, #tpu.memory_space<hbm>>)
        tpu.yield
      }) : () -> ()
    } else {
    }
    return
  }
}

#map = affine_map<(d0, d1) -> (0, 0)>
#map1 = affine_map<(d0, d1) -> (0, 0, 0)>
module attributes {stable_mosaic.version = 14 : i64} {
  func.func @_prop_kernel(%arg0: i32, %arg1: i32, %arg2: memref<10240x128xf32, #tpu.memory_space<hbm>>, %arg3: memref<10240x128xf32, #tpu.memory_space<hbm>>, %arg4: memref<16x160x128xi32, #tpu.memory_space<hbm>>, %arg5: memref<16x160x128xi32, #tpu.memory_space<hbm>>, %arg6: memref<16x160x128xi32, #tpu.memory_space<hbm>>, %arg7: memref<16x160x128xi32, #tpu.memory_space<hbm>>, %arg8: memref<10240x128xf32, #tpu.memory_space<hbm>>, %arg9: memref<10240x128xf32, #tpu.memory_space<hbm>>, %arg10: memref<10240x128xf32, #tpu.memory_space<hbm>>, %arg11: memref<40x128xi32, #tpu.memory_space<vmem>>, %arg12: memref<40x128xi32, #tpu.memory_space<vmem>>, %arg13: memref<128x128xf32, #tpu.memory_space<vmem>>, %arg14: memref<128x128xf32, #tpu.memory_space<vmem>>, %arg15: memref<10240x128xf32, #tpu.memory_space<vmem_shared>>, %arg16: memref<!tpu.dma_semaphore, #tpu.memory_space<semaphore_mem>>, %arg17: memref<!tpu.dma_semaphore, #tpu.memory_space<semaphore_mem>>) attributes {dimension_semantics = [#tpu.dimension_semantics<core_parallel>, #tpu.dimension_semantics<subcore_parallel>], iteration_bounds = array<i64: 2, 16>, scalar_prefetch = 0 : i64, scratch_operands = 7 : i64, tpu.core_type = #tpu.core_type<sc_vector_subcore>, window_params = [{transform_indices = #map}, {transform_indices = #map}, {transform_indices = #map1}, {transform_indices = #map1}, {transform_indices = #map1}, {transform_indices = #map1}, {transform_indices = #map}, {transform_indices = #map}, {transform_indices = #map}]} {
    %mul3A = arith.constant 640 : i32
    %mul3A_0 = arith.muli %arg1, %mul3A : i32
    %mul3A_1 = arith.constant 640 : i32
    %mul3A_2 = arith.muli %arg1, %mul3A_1 : i32
    "tpu.region"() ({
      %run_scoped3A = tpu.sem_alloc : memref<!tpu.dma_semaphore, #tpu.memory_space<semaphore_mem>>
      %dma_start3A = arith.constant 0 : i32
      %dma_start3A_21 = tpu.memref_slice %arg15[%mul3A_2, %dma_start3A] : memref<10240x128xf32, #tpu.memory_space<vmem_shared>> -> memref<640x128xf32, #tpu.memory_space<vmem_shared>>
      %dma_start3A_22 = arith.constant 0 : i32
      %dma_start3A_23 = tpu.memref_slice %arg8[%mul3A_0, %dma_start3A_22] : memref<10240x128xf32, #tpu.memory_space<hbm>> -> memref<640x128xf32, #tpu.memory_space<hbm>>
      tpu.enqueue_dma source(%dma_start3A_23 : memref<640x128xf32, #tpu.memory_space<hbm>>) target(%dma_start3A_21 : memref<640x128xf32, #tpu.memory_space<vmem_shared>>) target_semaphore(%run_scoped3A : memref<!tpu.dma_semaphore, #tpu.memory_space<semaphore_mem>>)
      %dma_wait3A = arith.constant 0 : i32
      %dma_wait3A_24 = tpu.memref_slice %arg15[%mul3A_2, %dma_wait3A] : memref<10240x128xf32, #tpu.memory_space<vmem_shared>> -> memref<640x128xf32, #tpu.memory_space<vmem_shared>>
      %dma_wait3A_25 = arith.constant 0 : i32
      %dma_wait3A_26 = tpu.memref_slice %arg8[%mul3A_0, %dma_wait3A_25] : memref<10240x128xf32, #tpu.memory_space<hbm>> -> memref<640x128xf32, #tpu.memory_space<hbm>>
      tpu.wait_dma2 semaphore(%run_scoped3A : memref<!tpu.dma_semaphore, #tpu.memory_space<semaphore_mem>>) src(%dma_wait3A_26 : memref<640x128xf32, #tpu.memory_space<hbm>>) dst(%dma_wait3A_24 : memref<640x128xf32, #tpu.memory_space<vmem_shared>>)
      tpu.yield
    }) : () -> ()
    %barrier3A = arith.constant 0 : index
    tpu.barrier barrier_id(%barrier3A)
    %eq3A = arith.constant 0 : i32
    %eq3A_3 = arith.cmpi eq, %arg0, %eq3A : i32
    %convert_element_type3A = arith.extui %eq3A_3 : i1 to i32
    %cond3A = arith.constant 0 : i32
    %cond3A_4 = arith.cmpi ne, %convert_element_type3A, %cond3A : i32
    scf.if %cond3A_4 {
      %scan3A = arith.constant 0 : i32
      %scan3A_21 = arith.constant 4 : i32
      %scan3A_22 = arith.addi %scan3A, %scan3A_21 : i32
      %scan3A_23 = arith.constant 1 : i32
      scf.for %scan3A_25 = %scan3A to %scan3A_22 step %scan3A_23  : i32 {
        %mul3A_26 = arith.constant 1 : i32
        %mul3A_27 = arith.muli %scan3A_25, %mul3A_26 : i32
        %add3A = arith.constant 0 : i32
        %add3A_28 = arith.addi %add3A, %mul3A_27 : i32
        %mul3A_29 = arith.constant 40 : i32
        %mul3A_30 = arith.muli %add3A_28, %mul3A_29 : i32
        "tpu.region"() ({
          %run_scoped3A = tpu.sem_alloc : memref<!tpu.dma_semaphore, #tpu.memory_space<semaphore_mem>>
          %dma_start3A_53 = arith.constant 0 : i32
          %dma_start3A_54 = tpu.memref_slice %arg4[%arg1, %mul3A_30, %dma_start3A_53] : memref<16x160x128xi32, #tpu.memory_space<hbm>> -> memref<1x40x128xi32, #tpu.memory_space<hbm>>
          %dma_start3A_55 = tpu.memref_squeeze %dma_start3A_54 : memref<1x40x128xi32, #tpu.memory_space<hbm>> -> memref<40x128xi32, #tpu.memory_space<hbm>>
          %dma_start3A_56 = arith.constant 0 : i32
          %dma_start3A_57 = tpu.memref_slice %arg4[%arg1, %mul3A_30, %dma_start3A_56] : memref<16x160x128xi32, #tpu.memory_space<hbm>> -> memref<1x40x128xi32, #tpu.memory_space<hbm>>
          %dma_start3A_58 = tpu.memref_squeeze %dma_start3A_57 : memref<1x40x128xi32, #tpu.memory_space<hbm>> -> memref<40x128xi32, #tpu.memory_space<hbm>>
          tpu.enqueue_dma source(%dma_start3A_58 : memref<40x128xi32, #tpu.memory_space<hbm>>) target(%arg11 : memref<40x128xi32, #tpu.memory_space<vmem>>) target_semaphore(%run_scoped3A : memref<!tpu.dma_semaphore, #tpu.memory_space<semaphore_mem>>)
          %dma_wait3A = arith.constant 0 : i32
          %dma_wait3A_59 = tpu.memref_slice %arg4[%arg1, %mul3A_30, %dma_wait3A] : memref<16x160x128xi32, #tpu.memory_space<hbm>> -> memref<1x40x128xi32, #tpu.memory_space<hbm>>
          %dma_wait3A_60 = tpu.memref_squeeze %dma_wait3A_59 : memref<1x40x128xi32, #tpu.memory_space<hbm>> -> memref<40x128xi32, #tpu.memory_space<hbm>>
          %dma_wait3A_61 = arith.constant 0 : i32
          %dma_wait3A_62 = tpu.memref_slice %arg4[%arg1, %mul3A_30, %dma_wait3A_61] : memref<16x160x128xi32, #tpu.memory_space<hbm>> -> memref<1x40x128xi32, #tpu.memory_space<hbm>>
          %dma_wait3A_63 = tpu.memref_squeeze %dma_wait3A_62 : memref<1x40x128xi32, #tpu.memory_space<hbm>> -> memref<40x128xi32, #tpu.memory_space<hbm>>
          tpu.wait_dma2 semaphore(%run_scoped3A : memref<!tpu.dma_semaphore, #tpu.memory_space<semaphore_mem>>) src(%dma_wait3A_63 : memref<40x128xi32, #tpu.memory_space<hbm>>) dst(%arg11 : memref<40x128xi32, #tpu.memory_space<vmem>>)
          tpu.yield
        }) : () -> ()
        %mul3A_31 = arith.constant 40 : i32
        %mul3A_32 = arith.muli %add3A_28, %mul3A_31 : i32
        "tpu.region"() ({
          %run_scoped3A = tpu.sem_alloc : memref<!tpu.dma_semaphore, #tpu.memory_space<semaphore_mem>>
          %dma_start3A_53 = arith.constant 0 : i32
          %dma_start3A_54 = tpu.memref_slice %arg5[%arg1, %mul3A_32, %dma_start3A_53] : memref<16x160x128xi32, #tpu.memory_space<hbm>> -> memref<1x40x128xi32, #tpu.memory_space<hbm>>
          %dma_start3A_55 = tpu.memref_squeeze %dma_start3A_54 : memref<1x40x128xi32, #tpu.memory_space<hbm>> -> memref<40x128xi32, #tpu.memory_space<hbm>>
          %dma_start3A_56 = arith.constant 0 : i32
          %dma_start3A_57 = tpu.memref_slice %arg5[%arg1, %mul3A_32, %dma_start3A_56] : memref<16x160x128xi32, #tpu.memory_space<hbm>> -> memref<1x40x128xi32, #tpu.memory_space<hbm>>
          %dma_start3A_58 = tpu.memref_squeeze %dma_start3A_57 : memref<1x40x128xi32, #tpu.memory_space<hbm>> -> memref<40x128xi32, #tpu.memory_space<hbm>>
          tpu.enqueue_dma source(%dma_start3A_58 : memref<40x128xi32, #tpu.memory_space<hbm>>) target(%arg12 : memref<40x128xi32, #tpu.memory_space<vmem>>) target_semaphore(%run_scoped3A : memref<!tpu.dma_semaphore, #tpu.memory_space<semaphore_mem>>)
          %dma_wait3A = arith.constant 0 : i32
          %dma_wait3A_59 = tpu.memref_slice %arg5[%arg1, %mul3A_32, %dma_wait3A] : memref<16x160x128xi32, #tpu.memory_space<hbm>> -> memref<1x40x128xi32, #tpu.memory_space<hbm>>
          %dma_wait3A_60 = tpu.memref_squeeze %dma_wait3A_59 : memref<1x40x128xi32, #tpu.memory_space<hbm>> -> memref<40x128xi32, #tpu.memory_space<hbm>>
          %dma_wait3A_61 = arith.constant 0 : i32
          %dma_wait3A_62 = tpu.memref_slice %arg5[%arg1, %mul3A_32, %dma_wait3A_61] : memref<16x160x128xi32, #tpu.memory_space<hbm>> -> memref<1x40x128xi32, #tpu.memory_space<hbm>>
          %dma_wait3A_63 = tpu.memref_squeeze %dma_wait3A_62 : memref<1x40x128xi32, #tpu.memory_space<hbm>> -> memref<40x128xi32, #tpu.memory_space<hbm>>
          tpu.wait_dma2 semaphore(%run_scoped3A : memref<!tpu.dma_semaphore, #tpu.memory_space<semaphore_mem>>) src(%dma_wait3A_63 : memref<40x128xi32, #tpu.memory_space<hbm>>) dst(%arg12 : memref<40x128xi32, #tpu.memory_space<vmem>>)
          tpu.yield
        }) : () -> ()
        %dma_start3A = arith.constant 0 : i32
        %dma_start3A_33 = arith.constant 0 : i32
        %dma_start3A_34 = tpu.memref_slice %arg11[%dma_start3A, %dma_start3A_33] : memref<40x128xi32, #tpu.memory_space<vmem>> -> memref<1x128xi32, #tpu.memory_space<vmem>>
        %dma_start3A_35 = tpu.memref_squeeze %dma_start3A_34 : memref<1x128xi32, #tpu.memory_space<vmem>> -> memref<128xi32, #tpu.memory_space<vmem>>
        %dma_start3A_36 = arith.constant 0 : i32
        %dma_start3A_37 = arith.constant 0 : i32
        %dma_start3A_38 = tpu.memref_slice %arg2[%dma_start3A_36, %dma_start3A_37] : memref<10240x128xf32, #tpu.memory_space<hbm>> -> memref<10240x128xf32, #tpu.memory_space<hbm>>
        tpu.enqueue_indirect_dma source(%dma_start3A_38 : memref<10240x128xf32, #tpu.memory_space<hbm>>) target(%arg13 : memref<128x128xf32, #tpu.memory_space<vmem>>) offsets(%dma_start3A_35 : memref<128xi32, #tpu.memory_space<vmem>>) semaphore(%arg16 : memref<!tpu.dma_semaphore, #tpu.memory_space<semaphore_mem>>)
        %dma_start3A_39 = arith.constant 1 : i32
        %dma_start3A_40 = arith.constant 0 : i32
        %dma_start3A_41 = tpu.memref_slice %arg11[%dma_start3A_39, %dma_start3A_40] : memref<40x128xi32, #tpu.memory_space<vmem>> -> memref<1x128xi32, #tpu.memory_space<vmem>>
        %dma_start3A_42 = tpu.memref_squeeze %dma_start3A_41 : memref<1x128xi32, #tpu.memory_space<vmem>> -> memref<128xi32, #tpu.memory_space<vmem>>
        %dma_start3A_43 = arith.constant 0 : i32
        %dma_start3A_44 = arith.constant 0 : i32
        %dma_start3A_45 = tpu.memref_slice %arg2[%dma_start3A_43, %dma_start3A_44] : memref<10240x128xf32, #tpu.memory_space<hbm>> -> memref<10240x128xf32, #tpu.memory_space<hbm>>
        tpu.enqueue_indirect_dma source(%dma_start3A_45 : memref<10240x128xf32, #tpu.memory_space<hbm>>) target(%arg14 : memref<128x128xf32, #tpu.memory_space<vmem>>) offsets(%dma_start3A_42 : memref<128xi32, #tpu.memory_space<vmem>>) semaphore(%arg17 : memref<!tpu.dma_semaphore, #tpu.memory_space<semaphore_mem>>)
        %scan3A_46 = arith.constant 0 : i32
        %scan3A_47 = arith.constant 1 : i32
        %scan3A_48 = arith.constant 0 : i32
        %scan3A_49 = arith.constant 20 : i32
        %scan3A_50 = arith.addi %scan3A_48, %scan3A_49 : i32
        %scan3A_51 = arith.constant 1 : i32
        scf.for %scan3A_53 = %scan3A_48 to %scan3A_50 step %scan3A_51  : i32 {
          %mul3A_54 = arith.constant 2 : i32
          %mul3A_55 = arith.muli %scan3A_53, %mul3A_54 : i32
          %add3A_56 = arith.constant 0 : i32
          %add3A_57 = arith.addi %add3A_56, %mul3A_55 : i32
          %dma_wait3A = arith.constant 0 : i32
          %dma_wait3A_58 = tpu.memref_slice %arg11[%scan3A_46, %dma_wait3A] : memref<40x128xi32, #tpu.memory_space<vmem>> -> memref<1x128xi32, #tpu.memory_space<vmem>>
          %dma_wait3A_59 = tpu.memref_squeeze %dma_wait3A_58 : memref<1x128xi32, #tpu.memory_space<vmem>> -> memref<128xi32, #tpu.memory_space<vmem>>
          %dma_wait3A_60 = arith.constant 0 : i32
          %dma_wait3A_61 = arith.constant 0 : i32
          %dma_wait3A_62 = tpu.memref_slice %arg2[%dma_wait3A_60, %dma_wait3A_61] : memref<10240x128xf32, #tpu.memory_space<hbm>> -> memref<10240x128xf32, #tpu.memory_space<hbm>>
          tpu.wait_indirect_dma semaphore(%arg16 : memref<!tpu.dma_semaphore, #tpu.memory_space<semaphore_mem>>) src(%dma_wait3A_62 : memref<10240x128xf32, #tpu.memory_space<hbm>>) dst(%arg13 : memref<128x128xf32, #tpu.memory_space<vmem>>)
          "tpu.region"() ({
            %run_scoped3A = tpu.sem_alloc : memref<!tpu.dma_semaphore, #tpu.memory_space<semaphore_mem>>
            %dma_start3A_84 = arith.constant 0 : i32
            %dma_start3A_85 = tpu.memref_slice %arg12[%add3A_57, %dma_start3A_84] : memref<40x128xi32, #tpu.memory_space<vmem>> -> memref<1x128xi32, #tpu.memory_space<vmem>>
            %dma_start3A_86 = tpu.memref_squeeze %dma_start3A_85 : memref<1x128xi32, #tpu.memory_space<vmem>> -> memref<128xi32, #tpu.memory_space<vmem>>
            %dma_start3A_87 = arith.constant 0 : i32
            %dma_start3A_88 = arith.constant 0 : i32
            %dma_start3A_89 = tpu.memref_slice %arg15[%dma_start3A_87, %dma_start3A_88] : memref<10240x128xf32, #tpu.memory_space<vmem_shared>> -> memref<10240x128xf32, #tpu.memory_space<vmem_shared>>
            tpu.enqueue_indirect_dma source(%arg13 : memref<128x128xf32, #tpu.memory_space<vmem>>) target(%dma_start3A_89 : memref<10240x128xf32, #tpu.memory_space<vmem_shared>>) offsets(%dma_start3A_86 : memref<128xi32, #tpu.memory_space<vmem>>) semaphore(%run_scoped3A : memref<!tpu.dma_semaphore, #tpu.memory_space<semaphore_mem>>) {add = true}
            %dma_wait3A_90 = arith.constant 0 : i32
            %dma_wait3A_91 = tpu.memref_slice %arg12[%add3A_57, %dma_wait3A_90] : memref<40x128xi32, #tpu.memory_space<vmem>> -> memref<1x128xi32, #tpu.memory_space<vmem>>
            %dma_wait3A_92 = tpu.memref_squeeze %dma_wait3A_91 : memref<1x128xi32, #tpu.memory_space<vmem>> -> memref<128xi32, #tpu.memory_space<vmem>>
            %dma_wait3A_93 = arith.constant 0 : i32
            %dma_wait3A_94 = arith.constant 0 : i32
            %dma_wait3A_95 = tpu.memref_slice %arg15[%dma_wait3A_93, %dma_wait3A_94] : memref<10240x128xf32, #tpu.memory_space<vmem_shared>> -> memref<10240x128xf32, #tpu.memory_space<vmem_shared>>
            tpu.wait_indirect_dma semaphore(%run_scoped3A : memref<!tpu.dma_semaphore, #tpu.memory_space<semaphore_mem>>) src(%arg13 : memref<128x128xf32, #tpu.memory_space<vmem>>) dst(%dma_wait3A_95 : memref<10240x128xf32, #tpu.memory_space<vmem_shared>>)
            tpu.yield
          }) : () -> ()
          %add3A_63 = arith.constant 2 : i32
          %add3A_64 = arith.addi %add3A_57, %add3A_63 : i32
          %lt3A = arith.constant 40 : i32
          %lt3A_65 = arith.cmpi slt, %add3A_64, %lt3A : i32
          %convert_element_type3A_66 = arith.extui %lt3A_65 : i1 to i32
          %cond3A_67 = arith.constant 0 : i32
          %cond3A_68 = arith.cmpi ne, %convert_element_type3A_66, %cond3A_67 : i32
          scf.if %cond3A_68 {
            %add3A_84 = arith.constant 2 : i32
            %add3A_85 = arith.addi %add3A_57, %add3A_84 : i32
            %dma_start3A_86 = arith.constant 0 : i32
            %dma_start3A_87 = tpu.memref_slice %arg11[%add3A_85, %dma_start3A_86] : memref<40x128xi32, #tpu.memory_space<vmem>> -> memref<1x128xi32, #tpu.memory_space<vmem>>
            %dma_start3A_88 = tpu.memref_squeeze %dma_start3A_87 : memref<1x128xi32, #tpu.memory_space<vmem>> -> memref<128xi32, #tpu.memory_space<vmem>>
            %dma_start3A_89 = arith.constant 0 : i32
            %dma_start3A_90 = arith.constant 0 : i32
            %dma_start3A_91 = tpu.memref_slice %arg2[%dma_start3A_89, %dma_start3A_90] : memref<10240x128xf32, #tpu.memory_space<hbm>> -> memref<10240x128xf32, #tpu.memory_space<hbm>>
            tpu.enqueue_indirect_dma source(%dma_start3A_91 : memref<10240x128xf32, #tpu.memory_space<hbm>>) target(%arg13 : memref<128x128xf32, #tpu.memory_space<vmem>>) offsets(%dma_start3A_88 : memref<128xi32, #tpu.memory_space<vmem>>) semaphore(%arg16 : memref<!tpu.dma_semaphore, #tpu.memory_space<semaphore_mem>>)
          } else {
          }
          %dma_wait3A_69 = arith.constant 0 : i32
          %dma_wait3A_70 = tpu.memref_slice %arg11[%scan3A_47, %dma_wait3A_69] : memref<40x128xi32, #tpu.memory_space<vmem>> -> memref<1x128xi32, #tpu.memory_space<vmem>>
          %dma_wait3A_71 = tpu.memref_squeeze %dma_wait3A_70 : memref<1x128xi32, #tpu.memory_space<vmem>> -> memref<128xi32, #tpu.memory_space<vmem>>
          %dma_wait3A_72 = arith.constant 0 : i32
          %dma_wait3A_73 = arith.constant 0 : i32
          %dma_wait3A_74 = tpu.memref_slice %arg2[%dma_wait3A_72, %dma_wait3A_73] : memref<10240x128xf32, #tpu.memory_space<hbm>> -> memref<10240x128xf32, #tpu.memory_space<hbm>>
          tpu.wait_indirect_dma semaphore(%arg17 : memref<!tpu.dma_semaphore, #tpu.memory_space<semaphore_mem>>) src(%dma_wait3A_74 : memref<10240x128xf32, #tpu.memory_space<hbm>>) dst(%arg14 : memref<128x128xf32, #tpu.memory_space<vmem>>)
          %add3A_75 = arith.constant 1 : i32
          %add3A_76 = arith.addi %add3A_57, %add3A_75 : i32
          "tpu.region"() ({
            %run_scoped3A = tpu.sem_alloc : memref<!tpu.dma_semaphore, #tpu.memory_space<semaphore_mem>>
            %dma_start3A_84 = arith.constant 0 : i32
            %dma_start3A_85 = tpu.memref_slice %arg12[%add3A_76, %dma_start3A_84] : memref<40x128xi32, #tpu.memory_space<vmem>> -> memref<1x128xi32, #tpu.memory_space<vmem>>
            %dma_start3A_86 = tpu.memref_squeeze %dma_start3A_85 : memref<1x128xi32, #tpu.memory_space<vmem>> -> memref<128xi32, #tpu.memory_space<vmem>>
            %dma_start3A_87 = arith.constant 0 : i32
            %dma_start3A_88 = arith.constant 0 : i32
            %dma_start3A_89 = tpu.memref_slice %arg15[%dma_start3A_87, %dma_start3A_88] : memref<10240x128xf32, #tpu.memory_space<vmem_shared>> -> memref<10240x128xf32, #tpu.memory_space<vmem_shared>>
            tpu.enqueue_indirect_dma source(%arg14 : memref<128x128xf32, #tpu.memory_space<vmem>>) target(%dma_start3A_89 : memref<10240x128xf32, #tpu.memory_space<vmem_shared>>) offsets(%dma_start3A_86 : memref<128xi32, #tpu.memory_space<vmem>>) semaphore(%run_scoped3A : memref<!tpu.dma_semaphore, #tpu.memory_space<semaphore_mem>>) {add = true}
            %dma_wait3A_90 = arith.constant 0 : i32
            %dma_wait3A_91 = tpu.memref_slice %arg12[%add3A_76, %dma_wait3A_90] : memref<40x128xi32, #tpu.memory_space<vmem>> -> memref<1x128xi32, #tpu.memory_space<vmem>>
            %dma_wait3A_92 = tpu.memref_squeeze %dma_wait3A_91 : memref<1x128xi32, #tpu.memory_space<vmem>> -> memref<128xi32, #tpu.memory_space<vmem>>
            %dma_wait3A_93 = arith.constant 0 : i32
            %dma_wait3A_94 = arith.constant 0 : i32
            %dma_wait3A_95 = tpu.memref_slice %arg15[%dma_wait3A_93, %dma_wait3A_94] : memref<10240x128xf32, #tpu.memory_space<vmem_shared>> -> memref<10240x128xf32, #tpu.memory_space<vmem_shared>>
            tpu.wait_indirect_dma semaphore(%run_scoped3A : memref<!tpu.dma_semaphore, #tpu.memory_space<semaphore_mem>>) src(%arg14 : memref<128x128xf32, #tpu.memory_space<vmem>>) dst(%dma_wait3A_95 : memref<10240x128xf32, #tpu.memory_space<vmem_shared>>)
            tpu.yield
          }) : () -> ()
          %add3A_77 = arith.constant 3 : i32
          %add3A_78 = arith.addi %add3A_57, %add3A_77 : i32
          %lt3A_79 = arith.constant 40 : i32
          %lt3A_80 = arith.cmpi slt, %add3A_78, %lt3A_79 : i32
          %convert_element_type3A_81 = arith.extui %lt3A_80 : i1 to i32
          %cond3A_82 = arith.constant 0 : i32
          %cond3A_83 = arith.cmpi ne, %convert_element_type3A_81, %cond3A_82 : i32
          scf.if %cond3A_83 {
            %add3A_84 = arith.constant 3 : i32
            %add3A_85 = arith.addi %add3A_57, %add3A_84 : i32
            %dma_start3A_86 = arith.constant 0 : i32
            %dma_start3A_87 = tpu.memref_slice %arg11[%add3A_85, %dma_start3A_86] : memref<40x128xi32, #tpu.memory_space<vmem>> -> memref<1x128xi32, #tpu.memory_space<vmem>>
            %dma_start3A_88 = tpu.memref_squeeze %dma_start3A_87 : memref<1x128xi32, #tpu.memory_space<vmem>> -> memref<128xi32, #tpu.memory_space<vmem>>
            %dma_start3A_89 = arith.constant 0 : i32
            %dma_start3A_90 = arith.constant 0 : i32
            %dma_start3A_91 = tpu.memref_slice %arg2[%dma_start3A_89, %dma_start3A_90] : memref<10240x128xf32, #tpu.memory_space<hbm>> -> memref<10240x128xf32, #tpu.memory_space<hbm>>
            tpu.enqueue_indirect_dma source(%dma_start3A_91 : memref<10240x128xf32, #tpu.memory_space<hbm>>) target(%arg14 : memref<128x128xf32, #tpu.memory_space<vmem>>) offsets(%dma_start3A_88 : memref<128xi32, #tpu.memory_space<vmem>>) semaphore(%arg17 : memref<!tpu.dma_semaphore, #tpu.memory_space<semaphore_mem>>)
          } else {
          }
        }
        %scan3A_52 = arith.constant 20 : i32
      }
      %scan3A_24 = arith.constant 4 : i32
    } else {
    }
    %eq3A_5 = arith.constant 1 : i32
    %eq3A_6 = arith.cmpi eq, %arg0, %eq3A_5 : i32
    %convert_element_type3A_7 = arith.extui %eq3A_6 : i1 to i32
    %cond3A_8 = arith.constant 0 : i32
    %cond3A_9 = arith.cmpi ne, %convert_element_type3A_7, %cond3A_8 : i32
    scf.if %cond3A_9 {
      %scan3A = arith.constant 0 : i32
      %scan3A_21 = arith.constant 4 : i32
      %scan3A_22 = arith.addi %scan3A, %scan3A_21 : i32
      %scan3A_23 = arith.constant 1 : i32
      scf.for %scan3A_25 = %scan3A to %scan3A_22 step %scan3A_23  : i32 {
        %mul3A_26 = arith.constant 1 : i32
        %mul3A_27 = arith.muli %scan3A_25, %mul3A_26 : i32
        %add3A = arith.constant 0 : i32
        %add3A_28 = arith.addi %add3A, %mul3A_27 : i32
        %mul3A_29 = arith.constant 40 : i32
        %mul3A_30 = arith.muli %add3A_28, %mul3A_29 : i32
        "tpu.region"() ({
          %run_scoped3A = tpu.sem_alloc : memref<!tpu.dma_semaphore, #tpu.memory_space<semaphore_mem>>
          %dma_start3A_53 = arith.constant 0 : i32
          %dma_start3A_54 = tpu.memref_slice %arg6[%arg1, %mul3A_30, %dma_start3A_53] : memref<16x160x128xi32, #tpu.memory_space<hbm>> -> memref<1x40x128xi32, #tpu.memory_space<hbm>>
          %dma_start3A_55 = tpu.memref_squeeze %dma_start3A_54 : memref<1x40x128xi32, #tpu.memory_space<hbm>> -> memref<40x128xi32, #tpu.memory_space<hbm>>
          %dma_start3A_56 = arith.constant 0 : i32
          %dma_start3A_57 = tpu.memref_slice %arg6[%arg1, %mul3A_30, %dma_start3A_56] : memref<16x160x128xi32, #tpu.memory_space<hbm>> -> memref<1x40x128xi32, #tpu.memory_space<hbm>>
          %dma_start3A_58 = tpu.memref_squeeze %dma_start3A_57 : memref<1x40x128xi32, #tpu.memory_space<hbm>> -> memref<40x128xi32, #tpu.memory_space<hbm>>
          tpu.enqueue_dma source(%dma_start3A_58 : memref<40x128xi32, #tpu.memory_space<hbm>>) target(%arg11 : memref<40x128xi32, #tpu.memory_space<vmem>>) target_semaphore(%run_scoped3A : memref<!tpu.dma_semaphore, #tpu.memory_space<semaphore_mem>>)
          %dma_wait3A = arith.constant 0 : i32
          %dma_wait3A_59 = tpu.memref_slice %arg6[%arg1, %mul3A_30, %dma_wait3A] : memref<16x160x128xi32, #tpu.memory_space<hbm>> -> memref<1x40x128xi32, #tpu.memory_space<hbm>>
          %dma_wait3A_60 = tpu.memref_squeeze %dma_wait3A_59 : memref<1x40x128xi32, #tpu.memory_space<hbm>> -> memref<40x128xi32, #tpu.memory_space<hbm>>
          %dma_wait3A_61 = arith.constant 0 : i32
          %dma_wait3A_62 = tpu.memref_slice %arg6[%arg1, %mul3A_30, %dma_wait3A_61] : memref<16x160x128xi32, #tpu.memory_space<hbm>> -> memref<1x40x128xi32, #tpu.memory_space<hbm>>
          %dma_wait3A_63 = tpu.memref_squeeze %dma_wait3A_62 : memref<1x40x128xi32, #tpu.memory_space<hbm>> -> memref<40x128xi32, #tpu.memory_space<hbm>>
          tpu.wait_dma2 semaphore(%run_scoped3A : memref<!tpu.dma_semaphore, #tpu.memory_space<semaphore_mem>>) src(%dma_wait3A_63 : memref<40x128xi32, #tpu.memory_space<hbm>>) dst(%arg11 : memref<40x128xi32, #tpu.memory_space<vmem>>)
          tpu.yield
        }) : () -> ()
        %mul3A_31 = arith.constant 40 : i32
        %mul3A_32 = arith.muli %add3A_28, %mul3A_31 : i32
        "tpu.region"() ({
          %run_scoped3A = tpu.sem_alloc : memref<!tpu.dma_semaphore, #tpu.memory_space<semaphore_mem>>
          %dma_start3A_53 = arith.constant 0 : i32
          %dma_start3A_54 = tpu.memref_slice %arg7[%arg1, %mul3A_32, %dma_start3A_53] : memref<16x160x128xi32, #tpu.memory_space<hbm>> -> memref<1x40x128xi32, #tpu.memory_space<hbm>>
          %dma_start3A_55 = tpu.memref_squeeze %dma_start3A_54 : memref<1x40x128xi32, #tpu.memory_space<hbm>> -> memref<40x128xi32, #tpu.memory_space<hbm>>
          %dma_start3A_56 = arith.constant 0 : i32
          %dma_start3A_57 = tpu.memref_slice %arg7[%arg1, %mul3A_32, %dma_start3A_56] : memref<16x160x128xi32, #tpu.memory_space<hbm>> -> memref<1x40x128xi32, #tpu.memory_space<hbm>>
          %dma_start3A_58 = tpu.memref_squeeze %dma_start3A_57 : memref<1x40x128xi32, #tpu.memory_space<hbm>> -> memref<40x128xi32, #tpu.memory_space<hbm>>
          tpu.enqueue_dma source(%dma_start3A_58 : memref<40x128xi32, #tpu.memory_space<hbm>>) target(%arg12 : memref<40x128xi32, #tpu.memory_space<vmem>>) target_semaphore(%run_scoped3A : memref<!tpu.dma_semaphore, #tpu.memory_space<semaphore_mem>>)
          %dma_wait3A = arith.constant 0 : i32
          %dma_wait3A_59 = tpu.memref_slice %arg7[%arg1, %mul3A_32, %dma_wait3A] : memref<16x160x128xi32, #tpu.memory_space<hbm>> -> memref<1x40x128xi32, #tpu.memory_space<hbm>>
          %dma_wait3A_60 = tpu.memref_squeeze %dma_wait3A_59 : memref<1x40x128xi32, #tpu.memory_space<hbm>> -> memref<40x128xi32, #tpu.memory_space<hbm>>
          %dma_wait3A_61 = arith.constant 0 : i32
          %dma_wait3A_62 = tpu.memref_slice %arg7[%arg1, %mul3A_32, %dma_wait3A_61] : memref<16x160x128xi32, #tpu.memory_space<hbm>> -> memref<1x40x128xi32, #tpu.memory_space<hbm>>
          %dma_wait3A_63 = tpu.memref_squeeze %dma_wait3A_62 : memref<1x40x128xi32, #tpu.memory_space<hbm>> -> memref<40x128xi32, #tpu.memory_space<hbm>>
          tpu.wait_dma2 semaphore(%run_scoped3A : memref<!tpu.dma_semaphore, #tpu.memory_space<semaphore_mem>>) src(%dma_wait3A_63 : memref<40x128xi32, #tpu.memory_space<hbm>>) dst(%arg12 : memref<40x128xi32, #tpu.memory_space<vmem>>)
          tpu.yield
        }) : () -> ()
        %dma_start3A = arith.constant 0 : i32
        %dma_start3A_33 = arith.constant 0 : i32
        %dma_start3A_34 = tpu.memref_slice %arg11[%dma_start3A, %dma_start3A_33] : memref<40x128xi32, #tpu.memory_space<vmem>> -> memref<1x128xi32, #tpu.memory_space<vmem>>
        %dma_start3A_35 = tpu.memref_squeeze %dma_start3A_34 : memref<1x128xi32, #tpu.memory_space<vmem>> -> memref<128xi32, #tpu.memory_space<vmem>>
        %dma_start3A_36 = arith.constant 0 : i32
        %dma_start3A_37 = arith.constant 0 : i32
        %dma_start3A_38 = tpu.memref_slice %arg3[%dma_start3A_36, %dma_start3A_37] : memref<10240x128xf32, #tpu.memory_space<hbm>> -> memref<10240x128xf32, #tpu.memory_space<hbm>>
        tpu.enqueue_indirect_dma source(%dma_start3A_38 : memref<10240x128xf32, #tpu.memory_space<hbm>>) target(%arg13 : memref<128x128xf32, #tpu.memory_space<vmem>>) offsets(%dma_start3A_35 : memref<128xi32, #tpu.memory_space<vmem>>) semaphore(%arg16 : memref<!tpu.dma_semaphore, #tpu.memory_space<semaphore_mem>>)
        %dma_start3A_39 = arith.constant 1 : i32
        %dma_start3A_40 = arith.constant 0 : i32
        %dma_start3A_41 = tpu.memref_slice %arg11[%dma_start3A_39, %dma_start3A_40] : memref<40x128xi32, #tpu.memory_space<vmem>> -> memref<1x128xi32, #tpu.memory_space<vmem>>
        %dma_start3A_42 = tpu.memref_squeeze %dma_start3A_41 : memref<1x128xi32, #tpu.memory_space<vmem>> -> memref<128xi32, #tpu.memory_space<vmem>>
        %dma_start3A_43 = arith.constant 0 : i32
        %dma_start3A_44 = arith.constant 0 : i32
        %dma_start3A_45 = tpu.memref_slice %arg3[%dma_start3A_43, %dma_start3A_44] : memref<10240x128xf32, #tpu.memory_space<hbm>> -> memref<10240x128xf32, #tpu.memory_space<hbm>>
        tpu.enqueue_indirect_dma source(%dma_start3A_45 : memref<10240x128xf32, #tpu.memory_space<hbm>>) target(%arg14 : memref<128x128xf32, #tpu.memory_space<vmem>>) offsets(%dma_start3A_42 : memref<128xi32, #tpu.memory_space<vmem>>) semaphore(%arg17 : memref<!tpu.dma_semaphore, #tpu.memory_space<semaphore_mem>>)
        %scan3A_46 = arith.constant 0 : i32
        %scan3A_47 = arith.constant 1 : i32
        %scan3A_48 = arith.constant 0 : i32
        %scan3A_49 = arith.constant 20 : i32
        %scan3A_50 = arith.addi %scan3A_48, %scan3A_49 : i32
        %scan3A_51 = arith.constant 1 : i32
        scf.for %scan3A_53 = %scan3A_48 to %scan3A_50 step %scan3A_51  : i32 {
          %mul3A_54 = arith.constant 2 : i32
          %mul3A_55 = arith.muli %scan3A_53, %mul3A_54 : i32
          %add3A_56 = arith.constant 0 : i32
          %add3A_57 = arith.addi %add3A_56, %mul3A_55 : i32
          %dma_wait3A = arith.constant 0 : i32
          %dma_wait3A_58 = tpu.memref_slice %arg11[%scan3A_46, %dma_wait3A] : memref<40x128xi32, #tpu.memory_space<vmem>> -> memref<1x128xi32, #tpu.memory_space<vmem>>
          %dma_wait3A_59 = tpu.memref_squeeze %dma_wait3A_58 : memref<1x128xi32, #tpu.memory_space<vmem>> -> memref<128xi32, #tpu.memory_space<vmem>>
          %dma_wait3A_60 = arith.constant 0 : i32
          %dma_wait3A_61 = arith.constant 0 : i32
          %dma_wait3A_62 = tpu.memref_slice %arg3[%dma_wait3A_60, %dma_wait3A_61] : memref<10240x128xf32, #tpu.memory_space<hbm>> -> memref<10240x128xf32, #tpu.memory_space<hbm>>
          tpu.wait_indirect_dma semaphore(%arg16 : memref<!tpu.dma_semaphore, #tpu.memory_space<semaphore_mem>>) src(%dma_wait3A_62 : memref<10240x128xf32, #tpu.memory_space<hbm>>) dst(%arg13 : memref<128x128xf32, #tpu.memory_space<vmem>>)
          "tpu.region"() ({
            %run_scoped3A = tpu.sem_alloc : memref<!tpu.dma_semaphore, #tpu.memory_space<semaphore_mem>>
            %dma_start3A_84 = arith.constant 0 : i32
            %dma_start3A_85 = tpu.memref_slice %arg12[%add3A_57, %dma_start3A_84] : memref<40x128xi32, #tpu.memory_space<vmem>> -> memref<1x128xi32, #tpu.memory_space<vmem>>
            %dma_start3A_86 = tpu.memref_squeeze %dma_start3A_85 : memref<1x128xi32, #tpu.memory_space<vmem>> -> memref<128xi32, #tpu.memory_space<vmem>>
            %dma_start3A_87 = arith.constant 0 : i32
            %dma_start3A_88 = arith.constant 0 : i32
            %dma_start3A_89 = tpu.memref_slice %arg15[%dma_start3A_87, %dma_start3A_88] : memref<10240x128xf32, #tpu.memory_space<vmem_shared>> -> memref<10240x128xf32, #tpu.memory_space<vmem_shared>>
            tpu.enqueue_indirect_dma source(%arg13 : memref<128x128xf32, #tpu.memory_space<vmem>>) target(%dma_start3A_89 : memref<10240x128xf32, #tpu.memory_space<vmem_shared>>) offsets(%dma_start3A_86 : memref<128xi32, #tpu.memory_space<vmem>>) semaphore(%run_scoped3A : memref<!tpu.dma_semaphore, #tpu.memory_space<semaphore_mem>>) {add = true}
            %dma_wait3A_90 = arith.constant 0 : i32
            %dma_wait3A_91 = tpu.memref_slice %arg12[%add3A_57, %dma_wait3A_90] : memref<40x128xi32, #tpu.memory_space<vmem>> -> memref<1x128xi32, #tpu.memory_space<vmem>>
            %dma_wait3A_92 = tpu.memref_squeeze %dma_wait3A_91 : memref<1x128xi32, #tpu.memory_space<vmem>> -> memref<128xi32, #tpu.memory_space<vmem>>
            %dma_wait3A_93 = arith.constant 0 : i32
            %dma_wait3A_94 = arith.constant 0 : i32
            %dma_wait3A_95 = tpu.memref_slice %arg15[%dma_wait3A_93, %dma_wait3A_94] : memref<10240x128xf32, #tpu.memory_space<vmem_shared>> -> memref<10240x128xf32, #tpu.memory_space<vmem_shared>>
            tpu.wait_indirect_dma semaphore(%run_scoped3A : memref<!tpu.dma_semaphore, #tpu.memory_space<semaphore_mem>>) src(%arg13 : memref<128x128xf32, #tpu.memory_space<vmem>>) dst(%dma_wait3A_95 : memref<10240x128xf32, #tpu.memory_space<vmem_shared>>)
            tpu.yield
          }) : () -> ()
          %add3A_63 = arith.constant 2 : i32
          %add3A_64 = arith.addi %add3A_57, %add3A_63 : i32
          %lt3A = arith.constant 40 : i32
          %lt3A_65 = arith.cmpi slt, %add3A_64, %lt3A : i32
          %convert_element_type3A_66 = arith.extui %lt3A_65 : i1 to i32
          %cond3A_67 = arith.constant 0 : i32
          %cond3A_68 = arith.cmpi ne, %convert_element_type3A_66, %cond3A_67 : i32
          scf.if %cond3A_68 {
            %add3A_84 = arith.constant 2 : i32
            %add3A_85 = arith.addi %add3A_57, %add3A_84 : i32
            %dma_start3A_86 = arith.constant 0 : i32
            %dma_start3A_87 = tpu.memref_slice %arg11[%add3A_85, %dma_start3A_86] : memref<40x128xi32, #tpu.memory_space<vmem>> -> memref<1x128xi32, #tpu.memory_space<vmem>>
            %dma_start3A_88 = tpu.memref_squeeze %dma_start3A_87 : memref<1x128xi32, #tpu.memory_space<vmem>> -> memref<128xi32, #tpu.memory_space<vmem>>
            %dma_start3A_89 = arith.constant 0 : i32
            %dma_start3A_90 = arith.constant 0 : i32
            %dma_start3A_91 = tpu.memref_slice %arg3[%dma_start3A_89, %dma_start3A_90] : memref<10240x128xf32, #tpu.memory_space<hbm>> -> memref<10240x128xf32, #tpu.memory_space<hbm>>
            tpu.enqueue_indirect_dma source(%dma_start3A_91 : memref<10240x128xf32, #tpu.memory_space<hbm>>) target(%arg13 : memref<128x128xf32, #tpu.memory_space<vmem>>) offsets(%dma_start3A_88 : memref<128xi32, #tpu.memory_space<vmem>>) semaphore(%arg16 : memref<!tpu.dma_semaphore, #tpu.memory_space<semaphore_mem>>)
          } else {
          }
          %dma_wait3A_69 = arith.constant 0 : i32
          %dma_wait3A_70 = tpu.memref_slice %arg11[%scan3A_47, %dma_wait3A_69] : memref<40x128xi32, #tpu.memory_space<vmem>> -> memref<1x128xi32, #tpu.memory_space<vmem>>
          %dma_wait3A_71 = tpu.memref_squeeze %dma_wait3A_70 : memref<1x128xi32, #tpu.memory_space<vmem>> -> memref<128xi32, #tpu.memory_space<vmem>>
          %dma_wait3A_72 = arith.constant 0 : i32
          %dma_wait3A_73 = arith.constant 0 : i32
          %dma_wait3A_74 = tpu.memref_slice %arg3[%dma_wait3A_72, %dma_wait3A_73] : memref<10240x128xf32, #tpu.memory_space<hbm>> -> memref<10240x128xf32, #tpu.memory_space<hbm>>
          tpu.wait_indirect_dma semaphore(%arg17 : memref<!tpu.dma_semaphore, #tpu.memory_space<semaphore_mem>>) src(%dma_wait3A_74 : memref<10240x128xf32, #tpu.memory_space<hbm>>) dst(%arg14 : memref<128x128xf32, #tpu.memory_space<vmem>>)
          %add3A_75 = arith.constant 1 : i32
          %add3A_76 = arith.addi %add3A_57, %add3A_75 : i32
          "tpu.region"() ({
            %run_scoped3A = tpu.sem_alloc : memref<!tpu.dma_semaphore, #tpu.memory_space<semaphore_mem>>
            %dma_start3A_84 = arith.constant 0 : i32
            %dma_start3A_85 = tpu.memref_slice %arg12[%add3A_76, %dma_start3A_84] : memref<40x128xi32, #tpu.memory_space<vmem>> -> memref<1x128xi32, #tpu.memory_space<vmem>>
            %dma_start3A_86 = tpu.memref_squeeze %dma_start3A_85 : memref<1x128xi32, #tpu.memory_space<vmem>> -> memref<128xi32, #tpu.memory_space<vmem>>
            %dma_start3A_87 = arith.constant 0 : i32
            %dma_start3A_88 = arith.constant 0 : i32
            %dma_start3A_89 = tpu.memref_slice %arg15[%dma_start3A_87, %dma_start3A_88] : memref<10240x128xf32, #tpu.memory_space<vmem_shared>> -> memref<10240x128xf32, #tpu.memory_space<vmem_shared>>
            tpu.enqueue_indirect_dma source(%arg14 : memref<128x128xf32, #tpu.memory_space<vmem>>) target(%dma_start3A_89 : memref<10240x128xf32, #tpu.memory_space<vmem_shared>>) offsets(%dma_start3A_86 : memref<128xi32, #tpu.memory_space<vmem>>) semaphore(%run_scoped3A : memref<!tpu.dma_semaphore, #tpu.memory_space<semaphore_mem>>) {add = true}
            %dma_wait3A_90 = arith.constant 0 : i32
            %dma_wait3A_91 = tpu.memref_slice %arg12[%add3A_76, %dma_wait3A_90] : memref<40x128xi32, #tpu.memory_space<vmem>> -> memref<1x128xi32, #tpu.memory_space<vmem>>
            %dma_wait3A_92 = tpu.memref_squeeze %dma_wait3A_91 : memref<1x128xi32, #tpu.memory_space<vmem>> -> memref<128xi32, #tpu.memory_space<vmem>>
            %dma_wait3A_93 = arith.constant 0 : i32
            %dma_wait3A_94 = arith.constant 0 : i32
            %dma_wait3A_95 = tpu.memref_slice %arg15[%dma_wait3A_93, %dma_wait3A_94] : memref<10240x128xf32, #tpu.memory_space<vmem_shared>> -> memref<10240x128xf32, #tpu.memory_space<vmem_shared>>
            tpu.wait_indirect_dma semaphore(%run_scoped3A : memref<!tpu.dma_semaphore, #tpu.memory_space<semaphore_mem>>) src(%arg14 : memref<128x128xf32, #tpu.memory_space<vmem>>) dst(%dma_wait3A_95 : memref<10240x128xf32, #tpu.memory_space<vmem_shared>>)
            tpu.yield
          }) : () -> ()
          %add3A_77 = arith.constant 3 : i32
          %add3A_78 = arith.addi %add3A_57, %add3A_77 : i32
          %lt3A_79 = arith.constant 40 : i32
          %lt3A_80 = arith.cmpi slt, %add3A_78, %lt3A_79 : i32
          %convert_element_type3A_81 = arith.extui %lt3A_80 : i1 to i32
          %cond3A_82 = arith.constant 0 : i32
          %cond3A_83 = arith.cmpi ne, %convert_element_type3A_81, %cond3A_82 : i32
          scf.if %cond3A_83 {
            %add3A_84 = arith.constant 3 : i32
            %add3A_85 = arith.addi %add3A_57, %add3A_84 : i32
            %dma_start3A_86 = arith.constant 0 : i32
            %dma_start3A_87 = tpu.memref_slice %arg11[%add3A_85, %dma_start3A_86] : memref<40x128xi32, #tpu.memory_space<vmem>> -> memref<1x128xi32, #tpu.memory_space<vmem>>
            %dma_start3A_88 = tpu.memref_squeeze %dma_start3A_87 : memref<1x128xi32, #tpu.memory_space<vmem>> -> memref<128xi32, #tpu.memory_space<vmem>>
            %dma_start3A_89 = arith.constant 0 : i32
            %dma_start3A_90 = arith.constant 0 : i32
            %dma_start3A_91 = tpu.memref_slice %arg3[%dma_start3A_89, %dma_start3A_90] : memref<10240x128xf32, #tpu.memory_space<hbm>> -> memref<10240x128xf32, #tpu.memory_space<hbm>>
            tpu.enqueue_indirect_dma source(%dma_start3A_91 : memref<10240x128xf32, #tpu.memory_space<hbm>>) target(%arg14 : memref<128x128xf32, #tpu.memory_space<vmem>>) offsets(%dma_start3A_88 : memref<128xi32, #tpu.memory_space<vmem>>) semaphore(%arg17 : memref<!tpu.dma_semaphore, #tpu.memory_space<semaphore_mem>>)
          } else {
          }
        }
        %scan3A_52 = arith.constant 20 : i32
      }
      %scan3A_24 = arith.constant 4 : i32
    } else {
    }
    %barrier3A_10 = arith.constant 0 : index
    tpu.barrier barrier_id(%barrier3A_10)
    %eq3A_11 = arith.constant 0 : i32
    %eq3A_12 = arith.cmpi eq, %arg0, %eq3A_11 : i32
    %convert_element_type3A_13 = arith.extui %eq3A_12 : i1 to i32
    %cond3A_14 = arith.constant 0 : i32
    %cond3A_15 = arith.cmpi ne, %convert_element_type3A_13, %cond3A_14 : i32
    scf.if %cond3A_15 {
      %mul3A_21 = arith.constant 640 : i32
      %mul3A_22 = arith.muli %arg1, %mul3A_21 : i32
      %mul3A_23 = arith.constant 640 : i32
      %mul3A_24 = arith.muli %arg1, %mul3A_23 : i32
      "tpu.region"() ({
        %run_scoped3A = tpu.sem_alloc : memref<!tpu.dma_semaphore, #tpu.memory_space<semaphore_mem>>
        %dma_start3A = arith.constant 0 : i32
        %dma_start3A_25 = tpu.memref_slice %arg9[%mul3A_24, %dma_start3A] : memref<10240x128xf32, #tpu.memory_space<hbm>> -> memref<640x128xf32, #tpu.memory_space<hbm>>
        %dma_start3A_26 = arith.constant 0 : i32
        %dma_start3A_27 = tpu.memref_slice %arg15[%mul3A_22, %dma_start3A_26] : memref<10240x128xf32, #tpu.memory_space<vmem_shared>> -> memref<640x128xf32, #tpu.memory_space<vmem_shared>>
        tpu.enqueue_dma source(%dma_start3A_27 : memref<640x128xf32, #tpu.memory_space<vmem_shared>>) target(%dma_start3A_25 : memref<640x128xf32, #tpu.memory_space<hbm>>) target_semaphore(%run_scoped3A : memref<!tpu.dma_semaphore, #tpu.memory_space<semaphore_mem>>)
        %dma_wait3A = arith.constant 0 : i32
        %dma_wait3A_28 = tpu.memref_slice %arg9[%mul3A_24, %dma_wait3A] : memref<10240x128xf32, #tpu.memory_space<hbm>> -> memref<640x128xf32, #tpu.memory_space<hbm>>
        %dma_wait3A_29 = arith.constant 0 : i32
        %dma_wait3A_30 = tpu.memref_slice %arg15[%mul3A_22, %dma_wait3A_29] : memref<10240x128xf32, #tpu.memory_space<vmem_shared>> -> memref<640x128xf32, #tpu.memory_space<vmem_shared>>
        tpu.wait_dma2 semaphore(%run_scoped3A : memref<!tpu.dma_semaphore, #tpu.memory_space<semaphore_mem>>) src(%dma_wait3A_30 : memref<640x128xf32, #tpu.memory_space<vmem_shared>>) dst(%dma_wait3A_28 : memref<640x128xf32, #tpu.memory_space<hbm>>)
        tpu.yield
      }) : () -> ()
    } else {
    }
    %eq3A_16 = arith.constant 1 : i32
    %eq3A_17 = arith.cmpi eq, %arg0, %eq3A_16 : i32
    %convert_element_type3A_18 = arith.extui %eq3A_17 : i1 to i32
    %cond3A_19 = arith.constant 0 : i32
    %cond3A_20 = arith.cmpi ne, %convert_element_type3A_18, %cond3A_19 : i32
    scf.if %cond3A_20 {
      %mul3A_21 = arith.constant 640 : i32
      %mul3A_22 = arith.muli %arg1, %mul3A_21 : i32
      %mul3A_23 = arith.constant 640 : i32
      %mul3A_24 = arith.muli %arg1, %mul3A_23 : i32
      "tpu.region"() ({
        %run_scoped3A = tpu.sem_alloc : memref<!tpu.dma_semaphore, #tpu.memory_space<semaphore_mem>>
        %dma_start3A = arith.constant 0 : i32
        %dma_start3A_25 = tpu.memref_slice %arg10[%mul3A_24, %dma_start3A] : memref<10240x128xf32, #tpu.memory_space<hbm>> -> memref<640x128xf32, #tpu.memory_space<hbm>>
        %dma_start3A_26 = arith.constant 0 : i32
        %dma_start3A_27 = tpu.memref_slice %arg15[%mul3A_22, %dma_start3A_26] : memref<10240x128xf32, #tpu.memory_space<vmem_shared>> -> memref<640x128xf32, #tpu.memory_space<vmem_shared>>
        tpu.enqueue_dma source(%dma_start3A_27 : memref<640x128xf32, #tpu.memory_space<vmem_shared>>) target(%dma_start3A_25 : memref<640x128xf32, #tpu.memory_space<hbm>>) target_semaphore(%run_scoped3A : memref<!tpu.dma_semaphore, #tpu.memory_space<semaphore_mem>>)
        %dma_wait3A = arith.constant 0 : i32
        %dma_wait3A_28 = tpu.memref_slice %arg10[%mul3A_24, %dma_wait3A] : memref<10240x128xf32, #tpu.memory_space<hbm>> -> memref<640x128xf32, #tpu.memory_space<hbm>>
        %dma_wait3A_29 = arith.constant 0 : i32
        %dma_wait3A_30 = tpu.memref_slice %arg15[%mul3A_22, %dma_wait3A_29] : memref<10240x128xf32, #tpu.memory_space<vmem_shared>> -> memref<640x128xf32, #tpu.memory_space<vmem_shared>>
        tpu.wait_dma2 semaphore(%run_scoped3A : memref<!tpu.dma_semaphore, #tpu.memory_space<semaphore_mem>>) src(%dma_wait3A_30 : memref<640x128xf32, #tpu.memory_space<vmem_shared>>) dst(%dma_wait3A_28 : memref<640x128xf32, #tpu.memory_space<hbm>>)
        tpu.yield
      }) : () -> ()
    } else {
    }
    return
  }
}

module attributes {stable_mosaic.version = 14 : i64} {
  func.func @_prep_body(%arg0: i32, %arg1: memref<16x512xf32, #tpu.memory_space<vmem>>, %arg2: memref<16x512xf32, #tpu.memory_space<vmem>>, %arg3: memref<512x128xf32, #tpu.memory_space<vmem>>, %arg4: memref<2x512xf32, #tpu.memory_space<vmem>>, %arg5: memref<512x128xf32, #tpu.memory_space<vmem>>, %arg6: memref<512x128xf32, #tpu.memory_space<vmem>>) attributes {dimension_semantics = [#tpu.dimension_semantics<arbitrary>], iteration_bounds = array<i64: 20>, scalar_prefetch = 0 : i64, scratch_operands = 0 : i64, tpu.core_type = #tpu.core_type<tc>, window_params = [{transform_indices = @transform_0, window_bounds = array<i64: 16, 512>}, {transform_indices = @transform_1, window_bounds = array<i64: 16, 512>}, {transform_indices = @transform_2, window_bounds = array<i64: 512, 128>}, {transform_indices = @transform_3, window_bounds = array<i64: 2, 512>}, {transform_indices = @transform_4, window_bounds = array<i64: 512, 128>}, {transform_indices = @transform_5, window_bounds = array<i64: 512, 128>}]} {
    %get3A = arith.constant 0 : index
    %get3A_0 = arith.constant 0 : index
    %get3A_1 = vector.load %arg1[%get3A, %get3A_0] : memref<16x512xf32, #tpu.memory_space<vmem>>, vector<16x512xf32>
    %reduce_sum3A = arith.constant dense<0.000000e+00> : vector<512xf32>
    %reduce_sum3A_2 = vector.multi_reduction <add>, %get3A_1, %reduce_sum3A [0] : vector<16x512xf32> to vector<512xf32>
    %add3A = arith.constant 1.000000e+00 : f32
    %add3A_3 = vector.broadcast %add3A : f32 to vector<512xf32>
    %add3A_4 = arith.addf %reduce_sum3A_2, %add3A_3 : vector<512xf32>
    %get3A_5 = arith.constant 0 : index
    %get3A_6 = arith.constant 0 : index
    %get3A_7 = vector.load %arg2[%get3A_5, %get3A_6] : memref<16x512xf32, #tpu.memory_space<vmem>>, vector<16x512xf32>
    %reduce_sum3A_8 = arith.constant dense<0.000000e+00> : vector<512xf32>
    %reduce_sum3A_9 = vector.multi_reduction <add>, %get3A_7, %reduce_sum3A_8 [0] : vector<16x512xf32> to vector<512xf32>
    %add3A_10 = arith.constant 1.000000e+00 : f32
    %add3A_11 = vector.broadcast %add3A_10 : f32 to vector<512xf32>
    %add3A_12 = arith.addf %reduce_sum3A_9, %add3A_11 : vector<512xf32>
    %max3A = arith.constant 1.000000e+00 : f32
    %max3A_13 = vector.broadcast %max3A : f32 to vector<512xf32>
    %max3A_14 = arith.maximumf %add3A_4, %max3A_13 : vector<512xf32>
    %rsqrt3A = math.rsqrt %max3A_14 : vector<512xf32>
    %max3A_15 = arith.constant 1.000000e+00 : f32
    %max3A_16 = vector.broadcast %max3A_15 : f32 to vector<512xf32>
    %max3A_17 = arith.maximumf %add3A_12, %max3A_16 : vector<512xf32>
    %rsqrt3A_18 = math.rsqrt %max3A_17 : vector<512xf32>
    %swap3A = arith.constant 0 : index
    %swap3A_19 = arith.constant 0 : index
    %swap3A_20 = vector.load %arg4[%swap3A, %swap3A_19] : memref<2x512xf32, #tpu.memory_space<vmem>>, vector<1x512xf32>
    %swap3A_21 = vector.shape_cast %swap3A_20 : vector<1x512xf32> to vector<512xf32>
    %swap3A_22 = vector.shape_cast %rsqrt3A : vector<512xf32> to vector<1x512xf32>
    tpu.vector_store %arg4[%swap3A, %swap3A_19], %swap3A_22 {strides = array<i32>} : memref<2x512xf32, #tpu.memory_space<vmem>>, vector<1x512xf32>,
    %swap3A_23 = arith.constant 1 : index
    %swap3A_24 = arith.constant 0 : index
    %swap3A_25 = vector.load %arg4[%swap3A_23, %swap3A_24] : memref<2x512xf32, #tpu.memory_space<vmem>>, vector<1x512xf32>
    %swap3A_26 = vector.shape_cast %swap3A_25 : vector<1x512xf32> to vector<512xf32>
    %swap3A_27 = vector.shape_cast %rsqrt3A_18 : vector<512xf32> to vector<1x512xf32>
    tpu.vector_store %arg4[%swap3A_23, %swap3A_24], %swap3A_27 {strides = array<i32>} : memref<2x512xf32, #tpu.memory_space<vmem>>, vector<1x512xf32>,
    %get3A_28 = arith.constant 0 : index
    %get3A_29 = arith.constant 0 : index
    %get3A_30 = vector.load %arg3[%get3A_28, %get3A_29] : memref<512x128xf32, #tpu.memory_space<vmem>>, vector<512x128xf32>
    %broadcast_in_dim3A = vector.shape_cast %rsqrt3A : vector<512xf32> to vector<512x1xf32>
    %mul3A = vector.broadcast %broadcast_in_dim3A : vector<512x1xf32> to vector<512x128xf32>
    %mul3A_31 = arith.mulf %get3A_30, %mul3A : vector<512x128xf32>
    %swap3A_32 = arith.constant 0 : index
    %swap3A_33 = arith.constant 0 : index
    %swap3A_34 = vector.load %arg5[%swap3A_32, %swap3A_33] : memref<512x128xf32, #tpu.memory_space<vmem>>, vector<512x128xf32>
    tpu.vector_store %arg5[%swap3A_32, %swap3A_33], %mul3A_31 {strides = array<i32>} : memref<512x128xf32, #tpu.memory_space<vmem>>, vector<512x128xf32>,
    %broadcast_in_dim3A_35 = vector.shape_cast %rsqrt3A_18 : vector<512xf32> to vector<512x1xf32>
    %mul3A_36 = vector.broadcast %broadcast_in_dim3A_35 : vector<512x1xf32> to vector<512x128xf32>
    %mul3A_37 = arith.mulf %get3A_30, %mul3A_36 : vector<512x128xf32>
    %swap3A_38 = arith.constant 0 : index
    %swap3A_39 = arith.constant 0 : index
    %swap3A_40 = vector.load %arg6[%swap3A_38, %swap3A_39] : memref<512x128xf32, #tpu.memory_space<vmem>>, vector<512x128xf32>
    tpu.vector_store %arg6[%swap3A_38, %swap3A_39], %mul3A_37 {strides = array<i32>} : memref<512x128xf32, #tpu.memory_space<vmem>>, vector<512x128xf32>,
    return
  }
  func.func @transform_0(%arg0: i32) -> (i32, i32) {
    %c0_i32 = arith.constant 0 : i32
    %c0_i32_0 = arith.constant 0 : i32
    return %c0_i32, %arg0 : i32, i32
  }
  func.func @transform_1(%arg0: i32) -> (i32, i32) {
    %c0_i32 = arith.constant 0 : i32
    %c0_i32_0 = arith.constant 0 : i32
    return %c0_i32, %arg0 : i32, i32
  }
  func.func @transform_2(%arg0: i32) -> (i32, i32) {
    %c0_i32 = arith.constant 0 : i32
    %c0_i32_0 = arith.constant 0 : i32
    return %arg0, %c0_i32 : i32, i32
  }
  func.func @transform_3(%arg0: i32) -> (i32, i32) {
    %c0_i32 = arith.constant 0 : i32
    %c0_i32_0 = arith.constant 0 : i32
    return %c0_i32, %arg0 : i32, i32
  }
  func.func @transform_4(%arg0: i32) -> (i32, i32) {
    %c0_i32 = arith.constant 0 : i32
    %c0_i32_0 = arith.constant 0 : i32
    return %arg0, %c0_i32 : i32, i32
  }
  func.func @transform_5(%arg0: i32) -> (i32, i32) {
    %c0_i32 = arith.constant 0 : i32
    %c0_i32_0 = arith.constant 0 : i32
    return %arg0, %c0_i32 : i32, i32
  }
}

module attributes {stable_mosaic.version = 14 : i64} {
  func.func @_mid_body(%arg0: i32, %arg1: memref<512x128xf32, #tpu.memory_space<vmem>>, %arg2: memref<512x128xf32, #tpu.memory_space<vmem>>, %arg3: memref<512x128xf32, #tpu.memory_space<vmem>>, %arg4: memref<512x128xf32, #tpu.memory_space<vmem>>, %arg5: memref<2x512xf32, #tpu.memory_space<vmem>>, %arg6: memref<2x128x128xf32, #tpu.memory_space<vmem>>, %arg7: memref<2x128xf32, #tpu.memory_space<vmem>>, %arg8: memref<512x128xf32, #tpu.memory_space<vmem>>, %arg9: memref<512x128xf32, #tpu.memory_space<vmem>>) attributes {dimension_semantics = [#tpu.dimension_semantics<arbitrary>], iteration_bounds = array<i64: 20>, scalar_prefetch = 0 : i64, scratch_operands = 0 : i64, tpu.core_type = #tpu.core_type<tc>, window_params = [{transform_indices = @transform_0, window_bounds = array<i64: 512, 128>}, {transform_indices = @transform_1, window_bounds = array<i64: 512, 128>}, {transform_indices = @transform_2, window_bounds = array<i64: 512, 128>}, {transform_indices = @transform_3, window_bounds = array<i64: 512, 128>}, {transform_indices = @transform_4, window_bounds = array<i64: 2, 512>}, {pipeline_mode = #tpu.pipeline_mode<synchronous>, transform_indices = @transform_5, window_bounds = array<i64: 2, 128, 128>}, {pipeline_mode = #tpu.pipeline_mode<synchronous>, transform_indices = @transform_6, window_bounds = array<i64: 2, 128>}, {transform_indices = @transform_7, window_bounds = array<i64: 512, 128>}, {transform_indices = @transform_8, window_bounds = array<i64: 512, 128>}]} {
    %get3A = arith.constant 0 : index
    %get3A_0 = arith.constant 0 : index
    %get3A_1 = vector.load %arg5[%get3A, %get3A_0] : memref<2x512xf32, #tpu.memory_space<vmem>>, vector<1x512xf32>
    %get3A_2 = vector.shape_cast %get3A_1 : vector<1x512xf32> to vector<512xf32>
    %get3A_3 = arith.constant 1 : index
    %get3A_4 = arith.constant 0 : index
    %get3A_5 = vector.load %arg5[%get3A_3, %get3A_4] : memref<2x512xf32, #tpu.memory_space<vmem>>, vector<1x512xf32>
    %get3A_6 = vector.shape_cast %get3A_5 : vector<1x512xf32> to vector<512xf32>
    %get3A_7 = arith.constant 0 : index
    %get3A_8 = arith.constant 0 : index
    %get3A_9 = vector.load %arg1[%get3A_7, %get3A_8] : memref<512x128xf32, #tpu.memory_space<vmem>>, vector<512x128xf32>
    %get3A_10 = arith.constant 0 : index
    %get3A_11 = arith.constant 0 : index
    %get3A_12 = vector.load %arg3[%get3A_10, %get3A_11] : memref<512x128xf32, #tpu.memory_space<vmem>>, vector<512x128xf32>
    %add3A = arith.addf %get3A_9, %get3A_12 : vector<512x128xf32>
    %broadcast_in_dim3A = vector.shape_cast %get3A_2 : vector<512xf32> to vector<512x1xf32>
    %mul3A = vector.broadcast %broadcast_in_dim3A : vector<512x1xf32> to vector<512x128xf32>
    %mul3A_13 = arith.mulf %add3A, %mul3A : vector<512x128xf32>
    %get3A_14 = arith.constant 0 : index
    %get3A_15 = arith.constant 0 : index
    %get3A_16 = vector.load %arg2[%get3A_14, %get3A_15] : memref<512x128xf32, #tpu.memory_space<vmem>>, vector<512x128xf32>
    %get3A_17 = arith.constant 0 : index
    %get3A_18 = arith.constant 0 : index
    %get3A_19 = vector.load %arg4[%get3A_17, %get3A_18] : memref<512x128xf32, #tpu.memory_space<vmem>>, vector<512x128xf32>
    %add3A_20 = arith.addf %get3A_16, %get3A_19 : vector<512x128xf32>
    %broadcast_in_dim3A_21 = vector.shape_cast %get3A_6 : vector<512xf32> to vector<512x1xf32>
    %mul3A_22 = vector.broadcast %broadcast_in_dim3A_21 : vector<512x1xf32> to vector<512x128xf32>
    %mul3A_23 = arith.mulf %add3A_20, %mul3A_22 : vector<512x128xf32>
    %get3A_24 = arith.constant 0 : index
    %get3A_25 = arith.constant 0 : index
    %get3A_26 = arith.constant 0 : index
    %get3A_27 = vector.load %arg6[%get3A_24, %get3A_25, %get3A_26] : memref<2x128x128xf32, #tpu.memory_space<vmem>>, vector<1x128x128xf32>
    %get3A_28 = vector.shape_cast %get3A_27 : vector<1x128x128xf32> to vector<128x128xf32>
    %dot_general3A = arith.constant dense<0.000000e+00> : vector<512x128xf32>
    %dot_general3A_29 = tpu.matmul %mul3A_13, %get3A_28, %dot_general3A {dimension_numbers = #tpu.dot_dimension_numbers<[1], [0], [0], [1], [0, 0, 1, 1], [], []>, transpose_lhs_hint = false} : vector<512x128xf32>, vector<128x128xf32>, vector<512x128xf32> -> vector<512x128xf32>
    %get3A_30 = arith.constant 0 : index
    %get3A_31 = arith.constant 0 : index
    %get3A_32 = vector.load %arg7[%get3A_30, %get3A_31] : memref<2x128xf32, #tpu.memory_space<vmem>>, vector<1x128xf32>
    %get3A_33 = vector.shape_cast %get3A_32 : vector<1x128xf32> to vector<128xf32>
    %broadcast_in_dim3A_34 = vector.shape_cast %get3A_33 : vector<128xf32> to vector<1x128xf32>
    %add3A_35 = vector.broadcast %broadcast_in_dim3A_34 : vector<1x128xf32> to vector<512x128xf32>
    %add3A_36 = arith.addf %dot_general3A_29, %add3A_35 : vector<512x128xf32>
    %max3A = arith.constant 0.000000e+00 : f32
    %max3A_37 = vector.broadcast %max3A : f32 to vector<512x128xf32>
    %max3A_38 = arith.maximumf %add3A_36, %max3A_37 : vector<512x128xf32>
    %get3A_39 = arith.constant 1 : index
    %get3A_40 = arith.constant 0 : index
    %get3A_41 = arith.constant 0 : index
    %get3A_42 = vector.load %arg6[%get3A_39, %get3A_40, %get3A_41] : memref<2x128x128xf32, #tpu.memory_space<vmem>>, vector<1x128x128xf32>
    %get3A_43 = vector.shape_cast %get3A_42 : vector<1x128x128xf32> to vector<128x128xf32>
    %dot_general3A_44 = arith.constant dense<0.000000e+00> : vector<512x128xf32>
    %dot_general3A_45 = tpu.matmul %mul3A_23, %get3A_43, %dot_general3A_44 {dimension_numbers = #tpu.dot_dimension_numbers<[1], [0], [0], [1], [0, 0, 1, 1], [], []>, transpose_lhs_hint = false} : vector<512x128xf32>, vector<128x128xf32>, vector<512x128xf32> -> vector<512x128xf32>
    %get3A_46 = arith.constant 1 : index
    %get3A_47 = arith.constant 0 : index
    %get3A_48 = vector.load %arg7[%get3A_46, %get3A_47] : memref<2x128xf32, #tpu.memory_space<vmem>>, vector<1x128xf32>
    %get3A_49 = vector.shape_cast %get3A_48 : vector<1x128xf32> to vector<128xf32>
    %broadcast_in_dim3A_50 = vector.shape_cast %get3A_49 : vector<128xf32> to vector<1x128xf32>
    %add3A_51 = vector.broadcast %broadcast_in_dim3A_50 : vector<1x128xf32> to vector<512x128xf32>
    %add3A_52 = arith.addf %dot_general3A_45, %add3A_51 : vector<512x128xf32>
    %max3A_53 = arith.constant 0.000000e+00 : f32
    %max3A_54 = vector.broadcast %max3A_53 : f32 to vector<512x128xf32>
    %max3A_55 = arith.maximumf %add3A_52, %max3A_54 : vector<512x128xf32>
    %broadcast_in_dim3A_56 = vector.shape_cast %get3A_2 : vector<512xf32> to vector<512x1xf32>
    %mul3A_57 = vector.broadcast %broadcast_in_dim3A_56 : vector<512x1xf32> to vector<512x128xf32>
    %mul3A_58 = arith.mulf %max3A_38, %mul3A_57 : vector<512x128xf32>
    %swap3A = arith.constant 0 : index
    %swap3A_59 = arith.constant 0 : index
    %swap3A_60 = vector.load %arg8[%swap3A, %swap3A_59] : memref<512x128xf32, #tpu.memory_space<vmem>>, vector<512x128xf32>
    tpu.vector_store %arg8[%swap3A, %swap3A_59], %mul3A_58 {strides = array<i32>} : memref<512x128xf32, #tpu.memory_space<vmem>>, vector<512x128xf32>,
    %broadcast_in_dim3A_61 = vector.shape_cast %get3A_6 : vector<512xf32> to vector<512x1xf32>
    %mul3A_62 = vector.broadcast %broadcast_in_dim3A_61 : vector<512x1xf32> to vector<512x128xf32>
    %mul3A_63 = arith.mulf %max3A_55, %mul3A_62 : vector<512x128xf32>
    %swap3A_64 = arith.constant 0 : index
    %swap3A_65 = arith.constant 0 : index
    %swap3A_66 = vector.load %arg9[%swap3A_64, %swap3A_65] : memref<512x128xf32, #tpu.memory_space<vmem>>, vector<512x128xf32>
    tpu.vector_store %arg9[%swap3A_64, %swap3A_65], %mul3A_63 {strides = array<i32>} : memref<512x128xf32, #tpu.memory_space<vmem>>, vector<512x128xf32>,
    return
  }
  func.func @transform_0(%arg0: i32) -> (i32, i32) {
    %c0_i32 = arith.constant 0 : i32
    %c0_i32_0 = arith.constant 0 : i32
    return %arg0, %c0_i32 : i32, i32
  }
  func.func @transform_1(%arg0: i32) -> (i32, i32) {
    %c0_i32 = arith.constant 0 : i32
    %c0_i32_0 = arith.constant 0 : i32
    return %arg0, %c0_i32 : i32, i32
  }
  func.func @transform_2(%arg0: i32) -> (i32, i32) {
    %c0_i32 = arith.constant 0 : i32
    %c0_i32_0 = arith.constant 0 : i32
    return %arg0, %c0_i32 : i32, i32
  }
  func.func @transform_3(%arg0: i32) -> (i32, i32) {
    %c0_i32 = arith.constant 0 : i32
    %c0_i32_0 = arith.constant 0 : i32
    return %arg0, %c0_i32 : i32, i32
  }
  func.func @transform_4(%arg0: i32) -> (i32, i32) {
    %c0_i32 = arith.constant 0 : i32
    %c0_i32_0 = arith.constant 0 : i32
    return %c0_i32, %arg0 : i32, i32
  }
  func.func @transform_5(%arg0: i32) -> (i32, i32, i32) {
    %c0_i32 = arith.constant 0 : i32
    %c0_i32_0 = arith.constant 0 : i32
    %c0_i32_1 = arith.constant 0 : i32
    %c0_i32_2 = arith.constant 0 : i32
    return %c0_i32, %c0_i32_0, %c0_i32_1 : i32, i32, i32
  }
  func.func @transform_6(%arg0: i32) -> (i32, i32) {
    %c0_i32 = arith.constant 0 : i32
    %c0_i32_0 = arith.constant 0 : i32
    %c0_i32_1 = arith.constant 0 : i32
    return %c0_i32, %c0_i32_0 : i32, i32
  }
  func.func @transform_7(%arg0: i32) -> (i32, i32) {
    %c0_i32 = arith.constant 0 : i32
    %c0_i32_0 = arith.constant 0 : i32
    return %arg0, %c0_i32 : i32, i32
  }
  func.func @transform_8(%arg0: i32) -> (i32, i32) {
    %c0_i32 = arith.constant 0 : i32
    %c0_i32_0 = arith.constant 0 : i32
    return %arg0, %c0_i32 : i32, i32
  }
}

module attributes {stable_mosaic.version = 14 : i64} {
  func.func @_fin_body(%arg0: i32, %arg1: memref<512x128xf32, #tpu.memory_space<vmem>>, %arg2: memref<512x128xf32, #tpu.memory_space<vmem>>, %arg3: memref<512x128xf32, #tpu.memory_space<vmem>>, %arg4: memref<512x128xf32, #tpu.memory_space<vmem>>, %arg5: memref<2x512xf32, #tpu.memory_space<vmem>>, %arg6: memref<2x128x128xf32, #tpu.memory_space<vmem>>, %arg7: memref<2x128xf32, #tpu.memory_space<vmem>>, %arg8: memref<2x128x128xf32, #tpu.memory_space<vmem>>, %arg9: memref<128xf32, #tpu.memory_space<vmem>>, %arg10: memref<512x128xf32, #tpu.memory_space<vmem>>, %arg11: memref<512x128xf32, #tpu.memory_space<vmem>>, %arg12: memref<512x128xf32, #tpu.memory_space<vmem>>) attributes {dimension_semantics = [#tpu.dimension_semantics<arbitrary>], iteration_bounds = array<i64: 20>, scalar_prefetch = 0 : i64, scratch_operands = 0 : i64, tpu.core_type = #tpu.core_type<tc>, window_params = [{transform_indices = @transform_0, window_bounds = array<i64: 512, 128>}, {transform_indices = @transform_1, window_bounds = array<i64: 512, 128>}, {transform_indices = @transform_2, window_bounds = array<i64: 512, 128>}, {transform_indices = @transform_3, window_bounds = array<i64: 512, 128>}, {transform_indices = @transform_4, window_bounds = array<i64: 2, 512>}, {pipeline_mode = #tpu.pipeline_mode<synchronous>, transform_indices = @transform_5, window_bounds = array<i64: 2, 128, 128>}, {pipeline_mode = #tpu.pipeline_mode<synchronous>, transform_indices = @transform_6, window_bounds = array<i64: 2, 128>}, {pipeline_mode = #tpu.pipeline_mode<synchronous>, transform_indices = @transform_7, window_bounds = array<i64: 2, 128, 128>}, {pipeline_mode = #tpu.pipeline_mode<synchronous>, transform_indices = @transform_8, window_bounds = array<i64: 128>}, {transform_indices = @transform_9, window_bounds = array<i64: 512, 128>}, {transform_indices = @transform_10, window_bounds = array<i64: 512, 128>}, {transform_indices = @transform_11, window_bounds = array<i64: 512, 128>}]} {
    %get3A = arith.constant 0 : index
    %get3A_0 = arith.constant 0 : index
    %get3A_1 = vector.load %arg5[%get3A, %get3A_0] : memref<2x512xf32, #tpu.memory_space<vmem>>, vector<1x512xf32>
    %get3A_2 = vector.shape_cast %get3A_1 : vector<1x512xf32> to vector<512xf32>
    %get3A_3 = arith.constant 1 : index
    %get3A_4 = arith.constant 0 : index
    %get3A_5 = vector.load %arg5[%get3A_3, %get3A_4] : memref<2x512xf32, #tpu.memory_space<vmem>>, vector<1x512xf32>
    %get3A_6 = vector.shape_cast %get3A_5 : vector<1x512xf32> to vector<512xf32>
    %get3A_7 = arith.constant 0 : index
    %get3A_8 = arith.constant 0 : index
    %get3A_9 = vector.load %arg1[%get3A_7, %get3A_8] : memref<512x128xf32, #tpu.memory_space<vmem>>, vector<512x128xf32>
    %get3A_10 = arith.constant 0 : index
    %get3A_11 = arith.constant 0 : index
    %get3A_12 = vector.load %arg3[%get3A_10, %get3A_11] : memref<512x128xf32, #tpu.memory_space<vmem>>, vector<512x128xf32>
    %add3A = arith.addf %get3A_9, %get3A_12 : vector<512x128xf32>
    %broadcast_in_dim3A = vector.shape_cast %get3A_2 : vector<512xf32> to vector<512x1xf32>
    %mul3A = vector.broadcast %broadcast_in_dim3A : vector<512x1xf32> to vector<512x128xf32>
    %mul3A_13 = arith.mulf %add3A, %mul3A : vector<512x128xf32>
    %get3A_14 = arith.constant 0 : index
    %get3A_15 = arith.constant 0 : index
    %get3A_16 = vector.load %arg2[%get3A_14, %get3A_15] : memref<512x128xf32, #tpu.memory_space<vmem>>, vector<512x128xf32>
    %get3A_17 = arith.constant 0 : index
    %get3A_18 = arith.constant 0 : index
    %get3A_19 = vector.load %arg4[%get3A_17, %get3A_18] : memref<512x128xf32, #tpu.memory_space<vmem>>, vector<512x128xf32>
    %add3A_20 = arith.addf %get3A_16, %get3A_19 : vector<512x128xf32>
    %broadcast_in_dim3A_21 = vector.shape_cast %get3A_6 : vector<512xf32> to vector<512x1xf32>
    %mul3A_22 = vector.broadcast %broadcast_in_dim3A_21 : vector<512x1xf32> to vector<512x128xf32>
    %mul3A_23 = arith.mulf %add3A_20, %mul3A_22 : vector<512x128xf32>
    %get3A_24 = arith.constant 0 : index
    %get3A_25 = arith.constant 0 : index
    %get3A_26 = arith.constant 0 : index
    %get3A_27 = vector.load %arg6[%get3A_24, %get3A_25, %get3A_26] : memref<2x128x128xf32, #tpu.memory_space<vmem>>, vector<1x128x128xf32>
    %get3A_28 = vector.shape_cast %get3A_27 : vector<1x128x128xf32> to vector<128x128xf32>
    %dot_general3A = arith.constant dense<0.000000e+00> : vector<512x128xf32>
    %dot_general3A_29 = tpu.matmul %mul3A_13, %get3A_28, %dot_general3A {dimension_numbers = #tpu.dot_dimension_numbers<[1], [0], [0], [1], [0, 0, 1, 1], [], []>, transpose_lhs_hint = false} : vector<512x128xf32>, vector<128x128xf32>, vector<512x128xf32> -> vector<512x128xf32>
    %get3A_30 = arith.constant 0 : index
    %get3A_31 = arith.constant 0 : index
    %get3A_32 = vector.load %arg7[%get3A_30, %get3A_31] : memref<2x128xf32, #tpu.memory_space<vmem>>, vector<1x128xf32>
    %get3A_33 = vector.shape_cast %get3A_32 : vector<1x128xf32> to vector<128xf32>
    %broadcast_in_dim3A_34 = vector.shape_cast %get3A_33 : vector<128xf32> to vector<1x128xf32>
    %add3A_35 = vector.broadcast %broadcast_in_dim3A_34 : vector<1x128xf32> to vector<512x128xf32>
    %add3A_36 = arith.addf %dot_general3A_29, %add3A_35 : vector<512x128xf32>
    %get3A_37 = arith.constant 1 : index
    %get3A_38 = arith.constant 0 : index
    %get3A_39 = arith.constant 0 : index
    %get3A_40 = vector.load %arg6[%get3A_37, %get3A_38, %get3A_39] : memref<2x128x128xf32, #tpu.memory_space<vmem>>, vector<1x128x128xf32>
    %get3A_41 = vector.shape_cast %get3A_40 : vector<1x128x128xf32> to vector<128x128xf32>
    %dot_general3A_42 = arith.constant dense<0.000000e+00> : vector<512x128xf32>
    %dot_general3A_43 = tpu.matmul %mul3A_23, %get3A_41, %dot_general3A_42 {dimension_numbers = #tpu.dot_dimension_numbers<[1], [0], [0], [1], [0, 0, 1, 1], [], []>, transpose_lhs_hint = false} : vector<512x128xf32>, vector<128x128xf32>, vector<512x128xf32> -> vector<512x128xf32>
    %get3A_44 = arith.constant 1 : index
    %get3A_45 = arith.constant 0 : index
    %get3A_46 = vector.load %arg7[%get3A_44, %get3A_45] : memref<2x128xf32, #tpu.memory_space<vmem>>, vector<1x128xf32>
    %get3A_47 = vector.shape_cast %get3A_46 : vector<1x128xf32> to vector<128xf32>
    %broadcast_in_dim3A_48 = vector.shape_cast %get3A_47 : vector<128xf32> to vector<1x128xf32>
    %add3A_49 = vector.broadcast %broadcast_in_dim3A_48 : vector<1x128xf32> to vector<512x128xf32>
    %add3A_50 = arith.addf %dot_general3A_43, %add3A_49 : vector<512x128xf32>
    %swap3A = arith.constant 0 : index
    %swap3A_51 = arith.constant 0 : index
    %swap3A_52 = vector.load %arg11[%swap3A, %swap3A_51] : memref<512x128xf32, #tpu.memory_space<vmem>>, vector<512x128xf32>
    tpu.vector_store %arg11[%swap3A, %swap3A_51], %add3A_36 {strides = array<i32>} : memref<512x128xf32, #tpu.memory_space<vmem>>, vector<512x128xf32>,
    %swap3A_53 = arith.constant 0 : index
    %swap3A_54 = arith.constant 0 : index
    %swap3A_55 = vector.load %arg12[%swap3A_53, %swap3A_54] : memref<512x128xf32, #tpu.memory_space<vmem>>, vector<512x128xf32>
    tpu.vector_store %arg12[%swap3A_53, %swap3A_54], %add3A_50 {strides = array<i32>} : memref<512x128xf32, #tpu.memory_space<vmem>>, vector<512x128xf32>,
    %get3A_56 = arith.constant 0 : index
    %get3A_57 = arith.constant 0 : index
    %get3A_58 = arith.constant 0 : index
    %get3A_59 = vector.load %arg8[%get3A_56, %get3A_57, %get3A_58] : memref<2x128x128xf32, #tpu.memory_space<vmem>>, vector<1x128x128xf32>
    %get3A_60 = vector.shape_cast %get3A_59 : vector<1x128x128xf32> to vector<128x128xf32>
    %dot_general3A_61 = arith.constant dense<0.000000e+00> : vector<512x128xf32>
    %dot_general3A_62 = tpu.matmul %add3A_36, %get3A_60, %dot_general3A_61 {dimension_numbers = #tpu.dot_dimension_numbers<[1], [0], [0], [1], [0, 0, 1, 1], [], []>, transpose_lhs_hint = false} : vector<512x128xf32>, vector<128x128xf32>, vector<512x128xf32> -> vector<512x128xf32>
    %get3A_63 = arith.constant 1 : index
    %get3A_64 = arith.constant 0 : index
    %get3A_65 = arith.constant 0 : index
    %get3A_66 = vector.load %arg8[%get3A_63, %get3A_64, %get3A_65] : memref<2x128x128xf32, #tpu.memory_space<vmem>>, vector<1x128x128xf32>
    %get3A_67 = vector.shape_cast %get3A_66 : vector<1x128x128xf32> to vector<128x128xf32>
    %dot_general3A_68 = arith.constant dense<0.000000e+00> : vector<512x128xf32>
    %dot_general3A_69 = tpu.matmul %add3A_50, %get3A_67, %dot_general3A_68 {dimension_numbers = #tpu.dot_dimension_numbers<[1], [0], [0], [1], [0, 0, 1, 1], [], []>, transpose_lhs_hint = false} : vector<512x128xf32>, vector<128x128xf32>, vector<512x128xf32> -> vector<512x128xf32>
    %add3A_70 = arith.addf %dot_general3A_62, %dot_general3A_69 : vector<512x128xf32>
    %get3A_71 = arith.constant 0 : index
    %get3A_72 = vector.load %arg9[%get3A_71] : memref<128xf32, #tpu.memory_space<vmem>>, vector<128xf32>
    %broadcast_in_dim3A_73 = vector.shape_cast %get3A_72 : vector<128xf32> to vector<1x128xf32>
    %add3A_74 = vector.broadcast %broadcast_in_dim3A_73 : vector<1x128xf32> to vector<512x128xf32>
    %add3A_75 = arith.addf %add3A_70, %add3A_74 : vector<512x128xf32>
    %max3A = arith.constant 0.000000e+00 : f32
    %max3A_76 = vector.broadcast %max3A : f32 to vector<512x128xf32>
    %max3A_77 = arith.maximumf %add3A_75, %max3A_76 : vector<512x128xf32>
    %swap3A_78 = arith.constant 0 : index
    %swap3A_79 = arith.constant 0 : index
    %swap3A_80 = vector.load %arg10[%swap3A_78, %swap3A_79] : memref<512x128xf32, #tpu.memory_space<vmem>>, vector<512x128xf32>
    tpu.vector_store %arg10[%swap3A_78, %swap3A_79], %max3A_77 {strides = array<i32>} : memref<512x128xf32, #tpu.memory_space<vmem>>, vector<512x128xf32>,
    return
  }
  func.func @transform_0(%arg0: i32) -> (i32, i32) {
    %c0_i32 = arith.constant 0 : i32
    %c0_i32_0 = arith.constant 0 : i32
    return %arg0, %c0_i32 : i32, i32
  }
  func.func @transform_1(%arg0: i32) -> (i32, i32) {
    %c0_i32 = arith.constant 0 : i32
    %c0_i32_0 = arith.constant 0 : i32
    return %arg0, %c0_i32 : i32, i32
  }
  func.func @transform_2(%arg0: i32) -> (i32, i32) {
    %c0_i32 = arith.constant 0 : i32
    %c0_i32_0 = arith.constant 0 : i32
    return %arg0, %c0_i32 : i32, i32
  }
  func.func @transform_3(%arg0: i32) -> (i32, i32) {
    %c0_i32 = arith.constant 0 : i32
    %c0_i32_0 = arith.constant 0 : i32
    return %arg0, %c0_i32 : i32, i32
  }
  func.func @transform_4(%arg0: i32) -> (i32, i32) {
    %c0_i32 = arith.constant 0 : i32
    %c0_i32_0 = arith.constant 0 : i32
    return %c0_i32, %arg0 : i32, i32
  }
  func.func @transform_5(%arg0: i32) -> (i32, i32, i32) {
    %c0_i32 = arith.constant 0 : i32
    %c0_i32_0 = arith.constant 0 : i32
    %c0_i32_1 = arith.constant 0 : i32
    %c0_i32_2 = arith.constant 0 : i32
    return %c0_i32, %c0_i32_0, %c0_i32_1 : i32, i32, i32
  }
  func.func @transform_6(%arg0: i32) -> (i32, i32) {
    %c0_i32 = arith.constant 0 : i32
    %c0_i32_0 = arith.constant 0 : i32
    %c0_i32_1 = arith.constant 0 : i32
    return %c0_i32, %c0_i32_0 : i32, i32
  }
  func.func @transform_7(%arg0: i32) -> (i32, i32, i32) {
    %c0_i32 = arith.constant 0 : i32
    %c0_i32_0 = arith.constant 0 : i32
    %c0_i32_1 = arith.constant 0 : i32
    %c0_i32_2 = arith.constant 0 : i32
    return %c0_i32, %c0_i32_0, %c0_i32_1 : i32, i32, i32
  }
  func.func @transform_8(%arg0: i32) -> i32 {
    %c0_i32 = arith.constant 0 : i32
    %c0_i32_0 = arith.constant 0 : i32
    return %c0_i32 : i32
  }
  func.func @transform_9(%arg0: i32) -> (i32, i32) {
    %c0_i32 = arith.constant 0 : i32
    %c0_i32_0 = arith.constant 0 : i32
    return %arg0, %c0_i32 : i32, i32
  }
  func.func @transform_10(%arg0: i32) -> (i32, i32) {
    %c0_i32 = arith.constant 0 : i32
    %c0_i32_0 = arith.constant 0 : i32
    return %arg0, %c0_i32 : i32, i32
  }
  func.func @transform_11(%arg0: i32) -> (i32, i32) {
    %c0_i32 = arith.constant 0 : i32
    %c0_i32_0 = arith.constant 0 : i32
    return %arg0, %c0_i32 : i32, i32
  }
}

</mosaic_0001>

<sc_bundles>
// kernel: kernel.11.cloned.1.call-start
scs
__scs_entry_jumppad:
0x0: {  	(pc) =	sbr.rel $0x88, $3  }
0x1: {  	(tag) =	ssettag $0x0;
	lr =	simm.s32 $0x1  }
0x2: {  	[smem:$0x3F94] =	sst lr;
	_ =	strace $0xD0000000  }
0x3: {  	_ = 	snop  }
0x4: {  	_ = 	snop  }
0x5: {  	_ = 	snop  }
0x6: {  	_ = 	snop  }
0x7: {  	_ = 	snop  }
__scs_overlays_trampoline_lowered:
0x8: {  	[smem:$0x3FA3] =	sst s0  }
0x9: {  	[smem:$0x3FA4] =	sst s1  }
0xa: {  	[smem:$0x3FA5] =	sst s2  }
0xb: {  	[smem:$0x3FA6] =	sst s3  }
0xc: {  	[smem:$0x3FA7] =	sst s4  }
0xd: {  	[smem:$0x3FA8] =	sst s5  }
0xe: {  	[smem:$0x3FA9] =	sst s6  }
0xf: {  	[smem:$0x3FAA] =	sst s7  }
0x10: {  	[smem:$0x3FAB] =	sst s8  }
0x11: {  	[smem:$0x3FAC] =	sst s9;
	s0 =	simm.s32 @!p0 $0x0  }
0x12: {  	s1 =	sld [smem:$0x3F92];
	s0 =	simm.s32 @p0 $0x1  }
0x13: {  	[smem:$0x3FAD] =	sst s0;
	s0 =	simm.s32 @!p1 $0x0  }
0x14: {  	s2 =	sld [smem:$0x3F91];
	s0 =	simm.s32 @p1 $0x1  }
0x15: {  	[smem:$0x3FAE] =	sst s0;
	s0 =	simm.s32 @!p2 $0x0  }
0x16: {  	s3 =	sld [smem:$0x3FDB];
	s0 =	simm.s32 @p2 $0x1  }
0x17: {  	s4 =	simm.s32 $0x1BF5;
	[smem:$0x3FB0] =	sst s0  }
0x18: {  	s0 =	sld [smem:$0x3F93];
	_ =	swait.ge [sflag:s4], $0x0  }
0x19: {  	s7 =	sld [smem:$0x3F94]  }
0x1a: {  	s8 =	sadd.s32 $0xFFFFE003, lr  }
0x1b: {  	s9 =	sadd.s32 $0xFFFFFEF7, lr;
	s5 =	simm.s32 $0xFFFFFFFF;
	p2 =	slt.u32 s8, $0xFFFFF086  }
0x1c: {  	p1 =	slt.u32 s9, $0xF7A;
	s5 =	simm.s32 @!p2 $0x0  }
0x1d: {  	s5 =	simm.s32 @p1 $0x1;
	p0 =	seq.s32 s7, s2  }
0x1e: {  	s7 =	smul.u32 @!p0 $0xF7A, s2;
	p2 =	seq.s32 @!p0 s5, $0x0  }
0x1f: {  	s9 =	smul.u32 $0xF7A, s1;
	s8 =	simm.s32 @!p0 $0x1BF5;
	p2 =	por !p2, p0  }
0x20: {  	[sflag:s8] =	ssyncset.s32 @!p0 $0xFFFFF086;
	s6 =	sadd.s32 @!p0 s3, s7;
	s7 =	simm.s32 @!p0 $0x108  }
0x21: {  	s3 =	sadd.s32 s3, s9;
	s6 =	sadd.s32 @!p0 $0x88, s6;
	s7 =	simm.s32 @p2 $0x1082  }
0x22: {  	[simem:s7], [sflag:s8] =	dma.local @!p0 [hbm:s6], $0xF7A  }
0x23: {  	s9 =	sor.u32 $0xD0000000, s2;
	s6 =	simm.s32 $0x108;
	_ =	swait.ge @!p0 [sflag:s8], $0x0  }
0x24: {  	s3 =	sadd.s32 $0x88, s3;
	s6 =	simm.s32 @!p1 $0x1082;
	[sflag:s4] =	ssyncset.s32 $0xFFFFF086  }
0x25: {  	[simem:s6], [sflag:s4] =	dma.local [hbm:s3], $0xF7A  }
0x26: {  	[smem:$0x3F94] =	sst s1;
	(tag) =	ssettag s2;
	_ =	strace s9  }
0x27: {  	s1 =	sld [smem:$0x3FA4]  }
0x28: {  	s2 =	sld [smem:$0x3FA5]  }
0x29: {  	s4 =	sld [smem:$0x3FA7]  }
0x2a: {  	p0 =	seq.s32 s5, $0x0;
	s5 =	sld [smem:$0x3FA8]  }
0x2b: {  	s6 =	sld [smem:$0x3FA9]  }
0x2c: {  	s7 =	sld [smem:$0x3FAA]  }
0x2d: {  	s3 =	simm.s32 $0x108;
	s8 =	sld [smem:$0x3FAB]  }
0x2e: {  	s3 =	simm.s32 @!p0 $0x1082;
	s9 =	sld [smem:$0x3FAC]  }
0x2f: {  	lr =	sadd.s32 s0, s3;
	s0 =	sld [smem:$0x3FA3]  }
0x30: {  	s3 =	sld [smem:$0x3FA6]  }
0x31: {  	[smem:$0x3FAF] =	sst s10  }
0x32: {  	s10 =	sld [smem:$0x3FAD];
	_ =	sdelay $0x3  }
0x33: {  	p0 =	seq.s32 s10, $0x1;
	s10 =	sld [smem:$0x3FAF];
	_ =	sdelay $0x3  }
0x34: {  	[smem:$0x3FAF] =	sst s10  }
0x35: {  	s10 =	sld [smem:$0x3FAE];
	_ =	sdelay $0x3  }
0x36: {  	p1 =	seq.s32 s10, $0x1;
	s10 =	sld [smem:$0x3FAF];
	_ =	sdelay $0x3  }
0x37: {  	[smem:$0x3FAF] =	sst s10  }
0x38: {  	s10 =	sld [smem:$0x3FB0]  }
0x39: {  	_ = 	snop;
	(pc) =	sbr.ind lr, $3  }
0x3a: {  	_ = 	snop  }
0x3b: {  	_ = 	snop  }
0x3c: {  	p2 =	seq.s32 s10, $0x1;
	s10 =	sld [smem:$0x3FAF]  }
0x3d: {  	_ =	shalt  }
0x3e: {  	_ =	shalt  }
0x3f: {  	_ =	shalt  }
0x40: {  	_ =	shalt  }
0x41: {  	_ =	shalt  }
0x42: {  	_ =	shalt  }
0x43: {  	_ =	shalt  }
0x44: {  	_ =	shalt  }
0x45: {  	_ =	shalt  }
0x46: {  	_ =	shalt  }
0x47: {  	_ =	shalt  }
0x48: {  	_ =	shalt  }
0x49: {  	_ =	shalt  }
0x4a: {  	_ =	shalt  }
0x4b: {  	_ =	shalt  }
0x4c: {  	_ =	shalt  }
0x4d: {  	_ =	shalt  }
0x4e: {  	_ =	shalt  }
0x4f: {  	_ =	shalt  }
0x50: {  	_ =	shalt  }
0x51: {  	_ =	shalt  }
0x52: {  	_ =	shalt  }
0x53: {  	_ =	shalt  }
0x54: {  	_ =	shalt  }
0x55: {  	_ =	shalt  }
0x56: {  	_ =	shalt  }
0x57: {  	_ =	shalt  }
0x58: {  	_ =	shalt  }
0x59: {  	_ =	shalt  }
0x5a: {  	_ =	shalt  }
0x5b: {  	_ =	shalt  }
0x5c: {  	_ =	shalt  }
0x5d: {  	_ =	shalt  }
0x5e: {  	_ =	shalt  }
0x5f: {  	_ =	shalt  }
0x60: {  	_ =	shalt  }
0x61: {  	_ =	shalt  }
0x62: {  	_ =	shalt  }
0x63: {  	_ =	shalt  }
0x64: {  	_ =	shalt  }
0x65: {  	_ =	shalt  }
0x66: {  	_ =	shalt  }
0x67: {  	_ =	shalt  }
0x68: {  	_ =	shalt  }
0x69: {  	_ =	shalt  }
0x6a: {  	_ =	shalt  }
0x6b: {  	_ =	shalt  }
0x6c: {  	_ =	shalt  }
0x6d: {  	_ =	shalt  }
0x6e: {  	_ =	shalt  }
0x6f: {  	_ =	shalt  }
0x70: {  	_ =	shalt  }
0x71: {  	_ =	shalt  }
0x72: {  	_ =	shalt  }
0x73: {  	_ =	shalt  }
0x74: {  	_ =	shalt  }
0x75: {  	_ =	shalt  }
0x76: {  	_ =	shalt  }
0x77: {  	_ =	shalt  }
0x78: {  	_ =	shalt  }
0x79: {  	_ =	shalt  }
0x7a: {  	_ =	shalt  }
0x7b: {  	_ =	shalt  }
0x7c: {  	_ =	shalt  }
0x7d: {  	_ =	shalt  }
0x7e: {  	_ =	shalt  }
0x7f: {  	_ =	shalt  }
0x80: {  	_ =	shalt  }
0x81: {  	_ =	shalt  }
0x82: {  	_ =	shalt  }
0x83: {  	_ =	shalt  }
0x84: {  	_ =	shalt  }
0x85: {  	_ =	shalt  }
0x86: {  	_ =	shalt  }
0x87: {  	_ =	shalt  }
.Lfunc_end0:
.L_simem_size_0:
called_computation.1_lowered:
.L_overlay_start_0:
0x88: {  	s2 =	sld [smem:$0x3FD9]  }
0x89: {  	s3 =	sld [smem:$0x3FFE];
	_ =	sdelay $0x1  }
0x8a: {  	s1 =	srdreg.scid  }
0x8b: {  	s0 =	sand.u32 $0x1, s1  }
0x8c: {  	s14 =	sshll.u32 s0, $0xA;
	s2 =	sadd.s32 s3, s2  }
0x8d: {  	s2 =	sadd.s32 s2, s14  }
0x8e: {  	[smem:$0x3FBB] =	sst s2  }
0x8f: {  	_ = 	snop  }
0x90: {  	s2 =	sld [smem:$0x3FD0];
	_ =	sdelay $0x2  }
0x91: {  	s15 =	simm.s32 $0xA;
	s4 =	simm.s32 $0x10  }
0x92: {  	[smem:s4], [sflag:s15] =	dma.local [hbm:s2], $0x1  }
0x93: {  	_ =	swait.eq [sflag:s15], $0x1  }
0x94: {  	[sflag:s15] =	ssyncset.done $0x0  }
0x95: {  	s16 =	sld [smem:$0x10];
	[sflag:s15] =	ssyncadd.s32 $0xFFFFFFFF  }
0x96: {  	s17 =	sld [smem:$0x13];
	(tm) =	ssettm $0x1  }
0x97: {  	s18 =	sld [smem:$0x3FFB];
	_ =	sdelay $0x3  }
0x98: {  	_ =	strace s18  }
0x99: {  	s4 =	sld [smem:$0x3FFC];
	_ =	sdelay $0x3  }
0x9a: {  	_ =	strace s4  }
0x9b: {  	s4 =	sld [smem:$0x3FFD];
	_ =	sdelay $0x3  }
0x9c: {  	_ =	strace s4  }
0x9d: {  	_ =	strace $0x8FFFFFFF  }
0x9e: {  	s19 =	sld [smem:$0x3FDB];
	_ =	sdelay $0x1  }
0x9f: {  	s5 =	simm.s32 $_scs_section_size  }
0xa0: {  	s6 =	simm.s32 $_size__tile_overlayer_lowered;
	s7 =	simm.s32 $_tile_overlayer_lowered  }
0xa1: {  	s22 =	simm.s32 $0x1BFF;
	s21 =	sshll.u32 s7, $0x1;
	s4 =	sadd.s32 s5, s19  }
0xa2: {  	s8 =	simm.s32 $0x0;
	s20 =	sshll.u32 s6, $0x1;
	s6 =	sadd.s32 s21, s4  }
0xa3: {  	[timem:s8], [sflag:s22] =	dma.local [hbm:s6], s20  }
0xa4: {  	_ =	swait.ge [sflag:s22], s20  }
0xa5: {  	s5 =	ssub.s32 $0x0, s20;
	[sflag:s22] =	ssyncset.done $0x0  }
0xa6: {  	[sflag:s22] =	ssyncadd.s32 s5;
	_ =	sdelay $0x1  }
0xa7: {  	s23 =	simm.s32 $0x1B8B  }
0xa8: {  	_ =	swait.ge [sflag:s23], $0x1  }
0xa9: {  	[sflag:s23] =	ssyncset.done $0x0  }
0xaa: {  	s25 =	simm.s32 $0x1B8E;
	s24 =	sld [smem:$0x3FFE];
	[sflag:s23] =	ssyncadd.s32 $0xFFFFFFFF  }
0xab: {  	s26 =	simm.s32 $execute0_lowered;
	[smem:$0x3FD2] =	sst s25  }
0xac: {  	s6 =	sshll.u32 s26, $0x1;
	_ =	strace $0x80000049;
	[dreg:$0x1] =	wrdreg $0xFFFFFFFF  }
0xad: {  	s28 =	simm.s32 $_size_execute0_lowered;
	s4 =	sadd.s32 s4, s6;
	[dreg:$0x0] =	wrdreg $0x0  }
0xae: {  	s6 =	sshll.u32 s28, $0x1;
	[dreg:$0x2] =	wrdreg s4  }
0xaf: {  	[dreg:$0x3] =	wrdreg s6  }
0xb0: {  	[dreg:$0x4] =	wrdreg $0xC0  }
0xb1: {  	_ =	task [dreg:s8], $0x5FFFF  }
0xb2: {  	[dreg:$0x1] =	wrdreg $0xFFFFFFFF  }
0xb3: {  	[dreg:$0x0] =	wrdreg $0x60  }
0xb4: {  	[dreg:$0x2] =	wrdreg s17  }
0xb5: {  	[dreg:$0x3] =	wrdreg s24  }
0xb6: {  	[dreg:$0x4] =	wrdreg s16  }
0xb7: {  	[dreg:$0x5] =	wrdreg $0xA8000  }
0xb8: {  	[dreg:$0x6] =	wrdreg $0x9  }
0xb9: {  	_ =	task.clear_ibuf [dreg:s8], $0x7FFFF;
	_ =	strace $0x90000049  }
0xba: {  	s29 =	simm.s32 $0x9;
	_ =	strace $0x8000004B  }
0xbb: {  	_ =	swait.ge [sflag:s29], $0x1  }
0xbc: {  	[sflag:s29] =	ssyncadd.s32 $0xFFFFFFFF  }
0xbd: {  	_ =	strace $0x9000004B  }
0xbe: {  	_ =	sfence  }
0xbf: {  	s30 =	sld [smem:$0x0];
	_ =	sdelay $0x2  }
0xc0: {  	s31 =	sshll.u32 s1, $0xD;
	s1 =	sshrl.u32 s1, $0x2  }
0xc1: {  	s3 =	sand.u32 $0x4000, s31;
	s1 =	sadd.s32 s1, s30  }
0xc2: {  	s0 =	sor.u32 s3, s0;
	s1 =	sshll.u32 s1, $0x11  }
0xc3: {  	s0 =	sor.u32 s1, s0  }
0xc4: {  	s0 =	sadd.s32 $0x8F2B, s0  }
0xc5: {  	[sflag:s0] =	ssyncadd.remote.s32 $0x1  }
0xc6: {  	_ =	sfence.sel $0xFFFF  }
0xc7: {  	[dreg:$0x0] =	wrdreg $0xFFFFFFFF;
	(pc) =	sbr.abs _section_cstart, $3  }
0xc8: {  	[dreg:$0x1] =	wrdreg $0xFFFFFFFF  }
0xc9: {  	_ =	task.clear_ibuf [dreg:s8], $0x2FFFF;
	_ =	strace $0x9FFFFFFF  }
0xca: {  	(tm) =	ssettm $0x7FFFFFFF  }
0xcb: {  	_ =	shalt  }
tec
execute0_lowered:
.L_overlay_start_1:
0x0: {  	(tag) =	ssettag $0x1  }
0x1: {  	s1 =	rddreg [dreg:$0x0]  }
0x2: {  	s12 =	rddreg [dreg:$0x1]  }
0x3: {  	s2 =	rddreg [dreg:$0x2]  }
0x4: {  	s3 =	rddreg [dreg:$0x3]  }
0x5: {  	s0 =	rddreg [dreg:$0x4];
	s4 =	simm.s32 $0x0  }
0x6: {  	s5 =	stileid.u32;
	s11 =	srdreg.scid;
	s19 =	simm.s32 $0x1400  }
0x7: {  	s20 =	simm.s32 $0x80;
	s21 =	simm.s32 $0x2800;
	s22 =	simm.s32 $0x6800  }
0x8: {  	s23 =	simm.s32 $0x1;
	s24 =	simm.s32 $0x2;
	s25 =	simm.s32 $0x2700  }
0x9: {  	s26 =	simm.s32 $0x2780;
	[smem:$0x7FF] =	sst s4;
	s6 =	sadd.s32 $0x27400, s12  }
0xa: {  	s7 =	sadd.s32 $0x4400, s12;
	s8 =	sadd.s32 $0x1D400, s12;
	s9 =	smul.u32 $0x2800, s5  }
0xb: {  	s10 =	sadd.s32 $0xE400, s12;
	s17 =	sand.u32 $0x1, s11;
	s13 =	smul.u32 $0x50000, s5  }
0xc: {  	s11 =	sadd.s32 $0x77400, s12;
	s31 =	sshll.u32 s5, $0x6;
	_ =	strace $0x8000004A  }
.Ltmp0:
0xd: {  	s15 =	ssub.s32 $0x2, s17;
	p0 =	sne.s32 s17, $0x0;
	(pc) =	sbr.rel .LBB2_1-.Ltmp0, $4  }
0xe: {  	s14 =	sadd.s32 s9, s12;
	s16 =	sshrl.u32 s15, $0x1;
	s13 =	sshrl.u32 s13, $0x2  }
0xf: {  	s12 =	sadd.s32 $0x9F400, s12;
	s16 =	ssub.s32 s15, s16;
	s18 =	sadd.s32 s13, s3  }
0x10: {  	s13 =	sadd.s32 $0x4F400, s14;
	s14 =	sor.u32 $0x1C03, s31;
	s15 =	smul.u32 $0x5000, s5  }
0x11: {  	s16 =	smax.u32 s16, $0x1;
	s17 =	sshrl.u32 s18, $0x3;
	s18 =	simm.s32 $0x3  }
.LBB2_10:
0x12: {  	s4 =	sadd.s32 $0x1, s4  }
0x13: {  	p1 =	sne.s32 s4, s16  }
.Ltmp1:
0x14: {  	s28 =	sadd.s32 s28, s9;
	[bflag:$0x0] =	sbarrier.arrive $0xFFFF;
	(pc) =	sbr.rel @!p1 .LBB2_11-.Ltmp1, $4  }
0x15: {  	[hbm:s28], [sflag:s14] =	dma.local [spmem:s17], $0x2800  }
0x16: {  	_ =	swait.ge [sflag:s18], $0x2800  }
0x17: {  	[sflag:s18] =	ssyncset.done $0x0  }
0x18: {  	[sflag:s18] =	ssyncadd.s32 $0xFFFFD800  }
.LBB2_1:
0x19: {  	[spmem:s17], [sflag:s14] =	dma.local [hbm:s13], $0x2800  }
.Ltmp2:
0x1a: {  	_ =	swait.ge [sflag:s18], $0x2800;
	(pc) =	sbr.rel @p0 .LBB2_6-.Ltmp2, $4  }
0x1b: {  	[sflag:s18] =	ssyncset.done $0x0  }
0x1c: {  	[sflag:s18] =	ssyncadd.s32 $0xFFFFD800  }
0x1d: {  	[bflag:$0x0] =	sbarrier.arrive $0xFFFF  }
0x1e: {  	s28 =	simm.s32 $0x0;
	s29 =	simm.s32 $0x0  }
.LBB2_2:
0x1f: {  	s29 =	smul.u32 $0x1400, s28;
	_ =	sdelay $0x1  }
0x20: {  	s29 =	sadd.s32 s15, s29  }
0x21: {  	s29 =	sshrl.u32 s29, $0x3  }
0x22: {  	s31 =	simm.s32 $0x0;
	s30 =	sadd.s32 s2, s29  }
0x23: {  	[tilespmem:s31], [sflag:$0x3] =	stream.linear.gather [hbm4b:s30+s31], $0x1400, $0x38;
	[tilespmem:$0x1E800] =	vst v63  }
0x24: {  	_ =	swait.ge [sflag:s18], $0x1400  }
0x25: {  	[sflag:s18] =	ssyncset.done $0x0  }
0x26: {  	s29 =	sadd.s32 s7, s29;
	[sflag:s18] =	ssyncadd.s32 $0xFFFFEC00  }
0x27: {  	[tilespmem:s19], [sflag:$0x3] =	stream.linear.gather [hbm4b:s29+s31], $0x1400, $0x38;
	[tilespmem:$0x1E800] =	vst v63  }
0x28: {  	_ =	swait.ge [sflag:s18], $0x1400  }
0x29: {  	[sflag:s18] =	ssyncset.done $0x0  }
0x2a: {  	[sflag:s18] =	ssyncadd.s32 $0xFFFFEC00  }
0x2b: {  	[tilespmem:s21], [sflag:$0x1] =	stream.indirect.gather [hbm4b:s1+s20], $0x80, s31, s20, $0xb8;
	[tilespmem:$0x1E800] =	vst v63  }
0x2c: {  	_ = 	snop  }
0x2d: {  	[tilespmem:s22], [sflag:$0x2] =	stream.indirect.gather [hbm4b:s1+s20], $0x80, s20, s20, $0xb8;
	[tilespmem:$0x1E800] =	vst v63  }
0x2e: {  	_ =	swait.ge [sflag:s23], $0x4000  }
0x2f: {  	[sflag:s23] =	ssyncset.done $0x0  }
0x30: {  	s29 =	simm.s32 $0x1400;
	[sflag:s23] =	ssyncadd.s32 $0xFFFFC000  }
0x31: {  	[spmem:s3] =	stream.indirect.scatter.add.f32 [tilespmem:s21], [sflag:$0x3], $0x80, s29, s20, $0xb8;
	[tilespmem:$0x1E800] =	vst v63  }
0x32: {  	_ =	swait.ge [sflag:s18], $0x4000  }
0x33: {  	[sflag:s18] =	ssyncset.done $0x0  }
0x34: {  	s29 =	simm.s32 $0x100;
	[sflag:s18] =	ssyncadd.s32 $0xFFFFC000  }
0x35: {  	[tilespmem:s21], [sflag:$0x1] =	stream.indirect.gather [hbm4b:s1+s20], $0x80, s29, s20, $0xb8;
	[tilespmem:$0x1E800] =	vst v63  }
0x36: {  	_ =	swait.ge [sflag:s24], $0x4000  }
0x37: {  	[sflag:s24] =	ssyncset.done $0x0  }
0x38: {  	s29 =	simm.s32 $0x1480;
	[sflag:s24] =	ssyncadd.s32 $0xFFFFC000  }
0x39: {  	[spmem:s3] =	stream.indirect.scatter.add.f32 [tilespmem:s22], [sflag:$0x3], $0x80, s29, s20, $0xb8;
	[tilespmem:$0x1E800] =	vst v63  }
0x3a: {  	_ =	swait.ge [sflag:s18], $0x4000  }
0x3b: {  	[sflag:s18] =	ssyncset.done $0x0  }
0x3c: {  	s30 =	simm.s32 $0x180;
	s29 =	simm.s32 $0x400;
	[sflag:s18] =	ssyncadd.s32 $0xFFFFC000  }
.LBB2_3:
0x3d: {  	[tilespmem:s22], [sflag:$0x2] =	stream.indirect.gather [hbm4b:s1+s20], $0x80, s30, s20, $0xb8;
	[tilespmem:$0x1E800] =	vst v63  }
0x3e: {  	s30 =	smov.u32 s29  }
0x3f: {  	p1 =	sne.s32 s29, $0x4800;
	s29 =	sadd.s32 $0x400, s29;
	_ =	swait.ge [sflag:s23], $0x4000  }
0x40: {  	s30 =	sshra.s32 s30, $0x2;
	[sflag:s23] =	ssyncset.done $0x0  }
0x41: {  	s31 =	sadd.s32 $0x1400, s30;
	[sflag:s23] =	ssyncadd.s32 $0xFFFFC000  }
0x42: {  	[spmem:s3] =	stream.indirect.scatter.add.f32 [tilespmem:s21], [sflag:$0x3], $0x80, s31, s20, $0xb8;
	[tilespmem:$0x1E800] =	vst v63  }
0x43: {  	_ =	swait.ge [sflag:s18], $0x4000  }
0x44: {  	[sflag:s18] =	ssyncset.done $0x0  }
0x45: {  	s31 =	sadd.s32 $0x100, s30;
	[sflag:s18] =	ssyncadd.s32 $0xFFFFC000  }
0x46: {  	[tilespmem:s21], [sflag:$0x1] =	stream.indirect.gather [hbm4b:s1+s20], $0x80, s31, s20, $0xb8;
	[tilespmem:$0x1E800] =	vst v63  }
0x47: {  	_ =	swait.ge [sflag:s24], $0x4000  }
0x48: {  	[sflag:s24] =	ssyncset.done $0x0  }
.Ltmp3:
0x49: {  	s31 =	sadd.s32 $0x1480, s30;
	[sflag:s24] =	ssyncadd.s32 $0xFFFFC000;
	(pc) =	sbr.rel @p1 .LBB2_3-.Ltmp3, $4  }
0x4a: {  	[spmem:s3] =	stream.indirect.scatter.add.f32 [tilespmem:s22], [sflag:$0x3], $0x80, s31, s20, $0xb8;
	[tilespmem:$0x1E800] =	vst v63  }
0x4b: {  	_ =	swait.ge [sflag:s18], $0x4000  }
0x4c: {  	[sflag:s18] =	ssyncset.done $0x0  }
0x4d: {  	s30 =	sadd.s32 $0x180, s30;
	[sflag:s18] =	ssyncadd.s32 $0xFFFFC000  }
0x4e: {  	[tilespmem:s22], [sflag:$0x2] =	stream.indirect.gather [hbm4b:s1+s20], $0x80, s30, s20, $0xb8;
	[tilespmem:$0x1E800] =	vst v63  }
0x4f: {  	_ =	swait.ge [sflag:s23], $0x4000  }
0x50: {  	[sflag:s23] =	ssyncset.done $0x0  }
0x51: {  	[sflag:s23] =	ssyncadd.s32 $0xFFFFC000  }
0x52: {  	[spmem:s3] =	stream.indirect.scatter.add.f32 [tilespmem:s21], [sflag:$0x3], $0x80, s25, s20, $0xb8;
	[tilespmem:$0x1E800] =	vst v63  }
0x53: {  	_ =	swait.ge [sflag:s18], $0x4000  }
0x54: {  	[sflag:s18] =	ssyncset.done $0x0  }
0x55: {  	[sflag:s18] =	ssyncadd.s32 $0xFFFFC000  }
0x56: {  	s28 =	sadd.s32 $0x1, s28;
	_ =	swait.ge [sflag:s24], $0x4000  }
0x57: {  	p1 =	seq.s32 s28, $0x4;
	[sflag:s24] =	ssyncset.done $0x0  }
.Ltmp4:
0x58: {  	[sflag:s24] =	ssyncadd.s32 $0xFFFFC000;
	(pc) =	sbr.rel @!p1 .LBB2_2-.Ltmp4, $4  }
0x59: {  	[spmem:s3] =	stream.indirect.scatter.add.f32 [tilespmem:s22], [sflag:$0x3], $0x80, s26, s20, $0xb8;
	[tilespmem:$0x1E800] =	vst v63  }
0x5a: {  	_ =	swait.ge [sflag:s18], $0x4000  }
0x5b: {  	[sflag:s18] =	ssyncset.done $0x0  }
0x5c: {  	[sflag:s18] =	ssyncadd.s32 $0xFFFFC000  }
.Ltmp5:
0x5d: {  	(pc) =	sbr.rel .LBB2_10-.Ltmp5, $2  }
0x5e: {  	_ =	sdelay $0x2  }
0x5f: {  	s28 =	smov.u32 s11  }
.LBB2_6:
0x60: {  	s28 =	smul.u32 $0x1400, s29;
	_ =	sdelay $0x1  }
0x61: {  	s28 =	sadd.s32 s15, s28  }
0x62: {  	s28 =	sshrl.u32 s28, $0x3  }
0x63: {  	s31 =	simm.s32 $0x0;
	s30 =	sadd.s32 s8, s28  }
0x64: {  	[tilespmem:s31], [sflag:$0x3] =	stream.linear.gather [hbm4b:s30+s31], $0x1400, $0x38;
	[tilespmem:$0x1E800] =	vst v63  }
0x65: {  	_ =	swait.ge [sflag:s18], $0x1400  }
0x66: {  	[sflag:s18] =	ssyncset.done $0x0  }
0x67: {  	s28 =	sadd.s32 s10, s28;
	[sflag:s18] =	ssyncadd.s32 $0xFFFFEC00  }
0x68: {  	[tilespmem:s19], [sflag:$0x3] =	stream.linear.gather [hbm4b:s28+s31], $0x1400, $0x38;
	[tilespmem:$0x1E800] =	vst v63  }
0x69: {  	_ =	swait.ge [sflag:s18], $0x1400  }
0x6a: {  	[sflag:s18] =	ssyncset.done $0x0  }
0x6b: {  	[sflag:s18] =	ssyncadd.s32 $0xFFFFEC00  }
0x6c: {  	[tilespmem:s21], [sflag:$0x1] =	stream.indirect.gather [hbm4b:s6+s20], $0x80, s31, s20, $0xb8;
	[tilespmem:$0x1E800] =	vst v63  }
0x6d: {  	_ = 	snop  }
0x6e: {  	[tilespmem:s22], [sflag:$0x2] =	stream.indirect.gather [hbm4b:s6+s20], $0x80, s20, s20, $0xb8;
	[tilespmem:$0x1E800] =	vst v63  }
0x6f: {  	_ =	swait.ge [sflag:s23], $0x4000  }
0x70: {  	[sflag:s23] =	ssyncset.done $0x0  }
0x71: {  	s28 =	simm.s32 $0x1400;
	[sflag:s23] =	ssyncadd.s32 $0xFFFFC000  }
0x72: {  	[spmem:s3] =	stream.indirect.scatter.add.f32 [tilespmem:s21], [sflag:$0x3], $0x80, s28, s20, $0xb8;
	[tilespmem:$0x1E800] =	vst v63  }
0x73: {  	_ =	swait.ge [sflag:s18], $0x4000  }
0x74: {  	[sflag:s18] =	ssyncset.done $0x0  }
0x75: {  	s28 =	simm.s32 $0x100;
	[sflag:s18] =	ssyncadd.s32 $0xFFFFC000  }
0x76: {  	[tilespmem:s21], [sflag:$0x1] =	stream.indirect.gather [hbm4b:s6+s20], $0x80, s28, s20, $0xb8;
	[tilespmem:$0x1E800] =	vst v63  }
0x77: {  	_ =	swait.ge [sflag:s24], $0x4000  }
0x78: {  	[sflag:s24] =	ssyncset.done $0x0  }
0x79: {  	s28 =	simm.s32 $0x1480;
	[sflag:s24] =	ssyncadd.s32 $0xFFFFC000  }
0x7a: {  	[spmem:s3] =	stream.indirect.scatter.add.f32 [tilespmem:s22], [sflag:$0x3], $0x80, s28, s20, $0xb8;
	[tilespmem:$0x1E800] =	vst v63  }
0x7b: {  	_ =	swait.ge [sflag:s18], $0x4000  }
0x7c: {  	[sflag:s18] =	ssyncset.done $0x0  }
0x7d: {  	s30 =	simm.s32 $0x180;
	s28 =	simm.s32 $0x400;
	[sflag:s18] =	ssyncadd.s32 $0xFFFFC000  }
.LBB2_7:
0x7e: {  	[tilespmem:s22], [sflag:$0x2] =	stream.indirect.gather [hbm4b:s6+s20], $0x80, s30, s20, $0xb8;
	[tilespmem:$0x1E800] =	vst v63  }
0x7f: {  	s30 =	smov.u32 s28  }
0x80: {  	p1 =	sne.s32 s28, $0x4800;
	s28 =	sadd.s32 $0x400, s28;
	_ =	swait.ge [sflag:s23], $0x4000  }
0x81: {  	s30 =	sshra.s32 s30, $0x2;
	[sflag:s23] =	ssyncset.done $0x0  }
0x82: {  	s31 =	sadd.s32 $0x1400, s30;
	[sflag:s23] =	ssyncadd.s32 $0xFFFFC000  }
0x83: {  	[spmem:s3] =	stream.indirect.scatter.add.f32 [tilespmem:s21], [sflag:$0x3], $0x80, s31, s20, $0xb8;
	[tilespmem:$0x1E800] =	vst v63  }
0x84: {  	_ =	swait.ge [sflag:s18], $0x4000  }
0x85: {  	[sflag:s18] =	ssyncset.done $0x0  }
0x86: {  	s31 =	sadd.s32 $0x100, s30;
	[sflag:s18] =	ssyncadd.s32 $0xFFFFC000  }
0x87: {  	[tilespmem:s21], [sflag:$0x1] =	stream.indirect.gather [hbm4b:s6+s20], $0x80, s31, s20, $0xb8;
	[tilespmem:$0x1E800] =	vst v63  }
0x88: {  	_ =	swait.ge [sflag:s24], $0x4000  }
0x89: {  	[sflag:s24] =	ssyncset.done $0x0  }
.Ltmp6:
0x8a: {  	s31 =	sadd.s32 $0x1480, s30;
	[sflag:s24] =	ssyncadd.s32 $0xFFFFC000;
	(pc) =	sbr.rel @p1 .LBB2_7-.Ltmp6, $4  }
0x8b: {  	[spmem:s3] =	stream.indirect.scatter.add.f32 [tilespmem:s22], [sflag:$0x3], $0x80, s31, s20, $0xb8;
	[tilespmem:$0x1E800] =	vst v63  }
0x8c: {  	_ =	swait.ge [sflag:s18], $0x4000  }
0x8d: {  	[sflag:s18] =	ssyncset.done $0x0  }
0x8e: {  	s30 =	sadd.s32 $0x180, s30;
	[sflag:s18] =	ssyncadd.s32 $0xFFFFC000  }
0x8f: {  	[tilespmem:s22], [sflag:$0x2] =	stream.indirect.gather [hbm4b:s6+s20], $0x80, s30, s20, $0xb8;
	[tilespmem:$0x1E800] =	vst v63  }
0x90: {  	_ =	swait.ge [sflag:s23], $0x4000  }
0x91: {  	[sflag:s23] =	ssyncset.done $0x0  }
0x92: {  	[sflag:s23] =	ssyncadd.s32 $0xFFFFC000  }
0x93: {  	[spmem:s3] =	stream.indirect.scatter.add.f32 [tilespmem:s21], [sflag:$0x3], $0x80, s25, s20, $0xb8;
	[tilespmem:$0x1E800] =	vst v63  }
0x94: {  	_ =	swait.ge [sflag:s18], $0x4000  }
0x95: {  	[sflag:s18] =	ssyncset.done $0x0  }
0x96: {  	[sflag:s18] =	ssyncadd.s32 $0xFFFFC000  }
0x97: {  	s29 =	sadd.s32 $0x1, s29;
	_ =	swait.ge [sflag:s24], $0x4000  }
0x98: {  	p1 =	sne.s32 s29, $0x4;
	[sflag:s24] =	ssyncset.done $0x0  }
.Ltmp7:
0x99: {  	[sflag:s24] =	ssyncadd.s32 $0xFFFFC000;
	(pc) =	sbr.rel @p1 .LBB2_6-.Ltmp7, $4  }
0x9a: {  	[spmem:s3] =	stream.indirect.scatter.add.f32 [tilespmem:s22], [sflag:$0x3], $0x80, s26, s20, $0xb8;
	[tilespmem:$0x1E800] =	vst v63  }
0x9b: {  	_ =	swait.ge [sflag:s18], $0x4000  }
0x9c: {  	[sflag:s18] =	ssyncset.done $0x0  }
0x9d: {  	[sflag:s18] =	ssyncadd.s32 $0xFFFFC000  }
.Ltmp8:
0x9e: {  	(pc) =	sbr.rel .LBB2_10-.Ltmp8, $2  }
0x9f: {  	_ =	sdelay $0x2  }
0xa0: {  	s28 =	smov.u32 s12  }
.LBB2_11:
0xa1: {  	_ =	sfence.sel $0x180000  }
0xa2: {  	[bflag:$0x0] =	sbarrier.arrive $0xFFFF  }
0xa3: {  	p0 =	sne.s32 s5, $0x0;
	_ =	strace $0x9000004A  }
0xa4: {  	s0 =	sadd.s32 @!p0 $0x100000, s0;
	[bflag:$0x2] =	sbarrier.arrive $0xFFFF  }
0xa5: {  	[sflag:s0] =	ssyncadd.tile.s32 @!p0 $0x1;
	_ =	shalt  }
.Lfunc_end2:
_tile_overlayer_lowered:
.L_overlay_start_2:
0xa6: {  	(tag) =	ssettag $0x2  }
0xa7: {  	s0 =	rddreg [dreg:$0x0];
	s2 =	stileid.u32  }
0xa8: {  	s1 =	rddreg [dreg:$0x1];
	p0 =	sne.s32 s2, $0x0  }
0xa9: {  	s3 =	rddreg [dreg:$0x2];
	[bflag:$0x3] =	sbarrier.arrive $0xFFFF;
	s2 =	simm.s32 @!p0 $0x1C03  }
0xaa: {  	[timem:s3], [sflag:s2] =	dma.local @!p0 [hbm:s0], s1  }
0xab: {  	s0 =	simm.s32 @!p0 $0x3  }
0xac: {  	_ =	swait.ge @!p0 [sflag:s0], s1  }
0xad: {  	s1 =	ssub.s32 @!p0 $0x0, s1;
	[sflag:s0] =	ssyncset.done @!p0 $0x0  }
0xae: {  	[sflag:s0] =	ssyncadd.s32 @!p0 s1  }
0xaf: {  	[bflag:$0x3] =	sbarrier.arrive $0xFFFF  }
0xb0: {  	_ =	shalt  }

// kernel: kernel.14.cloned.1.call-start
scs
__scs_entry_jumppad:
0x0: {  	(pc) =	sbr.rel $0x88, $3  }
0x1: {  	(tag) =	ssettag $0x0;
	lr =	simm.s32 $0x1  }
0x2: {  	[smem:$0x3F94] =	sst lr;
	_ =	strace $0xD0000000  }
0x3: {  	_ = 	snop  }
0x4: {  	_ = 	snop  }
0x5: {  	_ = 	snop  }
0x6: {  	_ = 	snop  }
0x7: {  	_ = 	snop  }
__scs_overlays_trampoline_lowered:
0x8: {  	[smem:$0x3FA3] =	sst s0  }
0x9: {  	[smem:$0x3FA4] =	sst s1  }
0xa: {  	[smem:$0x3FA5] =	sst s2  }
0xb: {  	[smem:$0x3FA6] =	sst s3  }
0xc: {  	[smem:$0x3FA7] =	sst s4  }
0xd: {  	[smem:$0x3FA8] =	sst s5  }
0xe: {  	[smem:$0x3FA9] =	sst s6  }
0xf: {  	[smem:$0x3FAA] =	sst s7  }
0x10: {  	[smem:$0x3FAB] =	sst s8  }
0x11: {  	[smem:$0x3FAC] =	sst s9;
	s0 =	simm.s32 @!p0 $0x0  }
0x12: {  	s1 =	sld [smem:$0x3F92];
	s0 =	simm.s32 @p0 $0x1  }
0x13: {  	[smem:$0x3FAD] =	sst s0;
	s0 =	simm.s32 @!p1 $0x0  }
0x14: {  	s2 =	sld [smem:$0x3F91];
	s0 =	simm.s32 @p1 $0x1  }
0x15: {  	[smem:$0x3FAE] =	sst s0;
	s0 =	simm.s32 @!p2 $0x0  }
0x16: {  	s3 =	sld [smem:$0x3FDB];
	s0 =	simm.s32 @p2 $0x1  }
0x17: {  	s4 =	simm.s32 $0x1BF5;
	[smem:$0x3FB0] =	sst s0  }
0x18: {  	s0 =	sld [smem:$0x3F93];
	_ =	swait.ge [sflag:s4], $0x0  }
0x19: {  	s7 =	sld [smem:$0x3F94]  }
0x1a: {  	s8 =	sadd.s32 $0xFFFFE003, lr  }
0x1b: {  	s9 =	sadd.s32 $0xFFFFFEF7, lr;
	s5 =	simm.s32 $0xFFFFFFFF;
	p2 =	slt.u32 s8, $0xFFFFF086  }
0x1c: {  	p1 =	slt.u32 s9, $0xF7A;
	s5 =	simm.s32 @!p2 $0x0  }
0x1d: {  	s5 =	simm.s32 @p1 $0x1;
	p0 =	seq.s32 s7, s2  }
0x1e: {  	s7 =	smul.u32 @!p0 $0xF7A, s2;
	p2 =	seq.s32 @!p0 s5, $0x0  }
0x1f: {  	s9 =	smul.u32 $0xF7A, s1;
	s8 =	simm.s32 @!p0 $0x1BF5;
	p2 =	por !p2, p0  }
0x20: {  	[sflag:s8] =	ssyncset.s32 @!p0 $0xFFFFF086;
	s6 =	sadd.s32 @!p0 s3, s7;
	s7 =	simm.s32 @!p0 $0x108  }
0x21: {  	s3 =	sadd.s32 s3, s9;
	s6 =	sadd.s32 @!p0 $0x88, s6;
	s7 =	simm.s32 @p2 $0x1082  }
0x22: {  	[simem:s7], [sflag:s8] =	dma.local @!p0 [hbm:s6], $0xF7A  }
0x23: {  	s9 =	sor.u32 $0xD0000000, s2;
	s6 =	simm.s32 $0x108;
	_ =	swait.ge @!p0 [sflag:s8], $0x0  }
0x24: {  	s3 =	sadd.s32 $0x88, s3;
	s6 =	simm.s32 @!p1 $0x1082;
	[sflag:s4] =	ssyncset.s32 $0xFFFFF086  }
0x25: {  	[simem:s6], [sflag:s4] =	dma.local [hbm:s3], $0xF7A  }
0x26: {  	[smem:$0x3F94] =	sst s1;
	(tag) =	ssettag s2;
	_ =	strace s9  }
0x27: {  	s1 =	sld [smem:$0x3FA4]  }
0x28: {  	s2 =	sld [smem:$0x3FA5]  }
0x29: {  	s4 =	sld [smem:$0x3FA7]  }
0x2a: {  	p0 =	seq.s32 s5, $0x0;
	s5 =	sld [smem:$0x3FA8]  }
0x2b: {  	s6 =	sld [smem:$0x3FA9]  }
0x2c: {  	s7 =	sld [smem:$0x3FAA]  }
0x2d: {  	s3 =	simm.s32 $0x108;
	s8 =	sld [smem:$0x3FAB]  }
0x2e: {  	s3 =	simm.s32 @!p0 $0x1082;
	s9 =	sld [smem:$0x3FAC]  }
0x2f: {  	lr =	sadd.s32 s0, s3;
	s0 =	sld [smem:$0x3FA3]  }
0x30: {  	s3 =	sld [smem:$0x3FA6]  }
0x31: {  	[smem:$0x3FAF] =	sst s10  }
0x32: {  	s10 =	sld [smem:$0x3FAD];
	_ =	sdelay $0x3  }
0x33: {  	p0 =	seq.s32 s10, $0x1;
	s10 =	sld [smem:$0x3FAF];
	_ =	sdelay $0x3  }
0x34: {  	[smem:$0x3FAF] =	sst s10  }
0x35: {  	s10 =	sld [smem:$0x3FAE];
	_ =	sdelay $0x3  }
0x36: {  	p1 =	seq.s32 s10, $0x1;
	s10 =	sld [smem:$0x3FAF];
	_ =	sdelay $0x3  }
0x37: {  	[smem:$0x3FAF] =	sst s10  }
0x38: {  	s10 =	sld [smem:$0x3FB0]  }
0x39: {  	_ = 	snop;
	(pc) =	sbr.ind lr, $3  }
0x3a: {  	_ = 	snop  }
0x3b: {  	_ = 	snop  }
0x3c: {  	p2 =	seq.s32 s10, $0x1;
	s10 =	sld [smem:$0x3FAF]  }
0x3d: {  	_ =	shalt  }
0x3e: {  	_ =	shalt  }
0x3f: {  	_ =	shalt  }
0x40: {  	_ =	shalt  }
0x41: {  	_ =	shalt  }
0x42: {  	_ =	shalt  }
0x43: {  	_ =	shalt  }
0x44: {  	_ =	shalt  }
0x45: {  	_ =	shalt  }
0x46: {  	_ =	shalt  }
0x47: {  	_ =	shalt  }
0x48: {  	_ =	shalt  }
0x49: {  	_ =	shalt  }
0x4a: {  	_ =	shalt  }
0x4b: {  	_ =	shalt  }
0x4c: {  	_ =	shalt  }
0x4d: {  	_ =	shalt  }
0x4e: {  	_ =	shalt  }
0x4f: {  	_ =	shalt  }
0x50: {  	_ =	shalt  }
0x51: {  	_ =	shalt  }
0x52: {  	_ =	shalt  }
0x53: {  	_ =	shalt  }
0x54: {  	_ =	shalt  }
0x55: {  	_ =	shalt  }
0x56: {  	_ =	shalt  }
0x57: {  	_ =	shalt  }
0x58: {  	_ =	shalt  }
0x59: {  	_ =	shalt  }
0x5a: {  	_ =	shalt  }
0x5b: {  	_ =	shalt  }
0x5c: {  	_ =	shalt  }
0x5d: {  	_ =	shalt  }
0x5e: {  	_ =	shalt  }
0x5f: {  	_ =	shalt  }
0x60: {  	_ =	shalt  }
0x61: {  	_ =	shalt  }
0x62: {  	_ =	shalt  }
0x63: {  	_ =	shalt  }
0x64: {  	_ =	shalt  }
0x65: {  	_ =	shalt  }
0x66: {  	_ =	shalt  }
0x67: {  	_ =	shalt  }
0x68: {  	_ =	shalt  }
0x69: {  	_ =	shalt  }
0x6a: {  	_ =	shalt  }
0x6b: {  	_ =	shalt  }
0x6c: {  	_ =	shalt  }
0x6d: {  	_ =	shalt  }
0x6e: {  	_ =	shalt  }
0x6f: {  	_ =	shalt  }
0x70: {  	_ =	shalt  }
0x71: {  	_ =	shalt  }
0x72: {  	_ =	shalt  }
0x73: {  	_ =	shalt  }
0x74: {  	_ =	shalt  }
0x75: {  	_ =	shalt  }
0x76: {  	_ =	shalt  }
0x77: {  	_ =	shalt  }
0x78: {  	_ =	shalt  }
0x79: {  	_ =	shalt  }
0x7a: {  	_ =	shalt  }
0x7b: {  	_ =	shalt  }
0x7c: {  	_ =	shalt  }
0x7d: {  	_ =	shalt  }
0x7e: {  	_ =	shalt  }
0x7f: {  	_ =	shalt  }
0x80: {  	_ =	shalt  }
0x81: {  	_ =	shalt  }
0x82: {  	_ =	shalt  }
0x83: {  	_ =	shalt  }
0x84: {  	_ =	shalt  }
0x85: {  	_ =	shalt  }
0x86: {  	_ =	shalt  }
0x87: {  	_ =	shalt  }
.Lfunc_end0:
.L_simem_size_0:
called_computation.2_lowered:
.L_overlay_start_0:
0x88: {  	s2 =	sld [smem:$0x3FD9]  }
0x89: {  	s3 =	sld [smem:$0x3FFE];
	_ =	sdelay $0x1  }
0x8a: {  	s1 =	srdreg.scid  }
0x8b: {  	s0 =	sand.u32 $0x1, s1  }
0x8c: {  	s14 =	sshll.u32 s0, $0xA;
	s2 =	sadd.s32 s3, s2  }
0x8d: {  	s2 =	sadd.s32 s2, s14  }
0x8e: {  	[smem:$0x3FBB] =	sst s2  }
0x8f: {  	_ = 	snop  }
0x90: {  	s2 =	sld [smem:$0x3FD0];
	_ =	sdelay $0x2  }
0x91: {  	s15 =	simm.s32 $0xA;
	s4 =	simm.s32 $0x10  }
0x92: {  	[smem:s4], [sflag:s15] =	dma.local [hbm:s2], $0x1  }
0x93: {  	_ =	swait.eq [sflag:s15], $0x1  }
0x94: {  	[sflag:s15] =	ssyncset.done $0x0  }
0x95: {  	s16 =	sld [smem:$0x10];
	[sflag:s15] =	ssyncadd.s32 $0xFFFFFFFF  }
0x96: {  	s17 =	sld [smem:$0x13];
	(tm) =	ssettm $0x1  }
0x97: {  	s18 =	sld [smem:$0x3FFB];
	_ =	sdelay $0x3  }
0x98: {  	_ =	strace s18  }
0x99: {  	s4 =	sld [smem:$0x3FFC];
	_ =	sdelay $0x3  }
0x9a: {  	_ =	strace s4  }
0x9b: {  	s4 =	sld [smem:$0x3FFD];
	_ =	sdelay $0x3  }
0x9c: {  	_ =	strace s4  }
0x9d: {  	_ =	strace $0x8FFFFFFF  }
0x9e: {  	s19 =	sld [smem:$0x3FDB];
	_ =	sdelay $0x1  }
0x9f: {  	s5 =	simm.s32 $_scs_section_size  }
0xa0: {  	s6 =	simm.s32 $_size__tile_overlayer_lowered;
	s7 =	simm.s32 $_tile_overlayer_lowered  }
0xa1: {  	s22 =	simm.s32 $0x1BFF;
	s21 =	sshll.u32 s7, $0x1;
	s4 =	sadd.s32 s5, s19  }
0xa2: {  	s8 =	simm.s32 $0x0;
	s20 =	sshll.u32 s6, $0x1;
	s6 =	sadd.s32 s21, s4  }
0xa3: {  	[timem:s8], [sflag:s22] =	dma.local [hbm:s6], s20  }
0xa4: {  	_ =	swait.ge [sflag:s22], s20  }
0xa5: {  	s5 =	ssub.s32 $0x0, s20;
	[sflag:s22] =	ssyncset.done $0x0  }
0xa6: {  	[sflag:s22] =	ssyncadd.s32 s5;
	_ =	sdelay $0x1  }
0xa7: {  	s23 =	simm.s32 $0x1B8B  }
0xa8: {  	_ =	swait.ge [sflag:s23], $0x1  }
0xa9: {  	[sflag:s23] =	ssyncset.done $0x0  }
0xaa: {  	s25 =	simm.s32 $0x1B8E;
	s24 =	sld [smem:$0x3FFE];
	[sflag:s23] =	ssyncadd.s32 $0xFFFFFFFF  }
0xab: {  	s26 =	simm.s32 $execute0_lowered;
	[smem:$0x3FD2] =	sst s25  }
0xac: {  	s6 =	sshll.u32 s26, $0x1;
	_ =	strace $0x8000004C;
	[dreg:$0x1] =	wrdreg $0xFFFFFFFF  }
0xad: {  	s28 =	simm.s32 $_size_execute0_lowered;
	s4 =	sadd.s32 s4, s6;
	[dreg:$0x0] =	wrdreg $0x0  }
0xae: {  	s6 =	sshll.u32 s28, $0x1;
	[dreg:$0x2] =	wrdreg s4  }
0xaf: {  	[dreg:$0x3] =	wrdreg s6  }
0xb0: {  	[dreg:$0x4] =	wrdreg $0xC0  }
0xb1: {  	_ =	task [dreg:s8], $0x5FFFF  }
0xb2: {  	[dreg:$0x1] =	wrdreg $0xFFFFFFFF  }
0xb3: {  	[dreg:$0x0] =	wrdreg $0x60  }
0xb4: {  	[dreg:$0x2] =	wrdreg s17  }
0xb5: {  	[dreg:$0x3] =	wrdreg s24  }
0xb6: {  	[dreg:$0x4] =	wrdreg s16  }
0xb7: {  	[dreg:$0x5] =	wrdreg $0xA8000  }
0xb8: {  	[dreg:$0x6] =	wrdreg $0x9  }
0xb9: {  	_ =	task.clear_ibuf [dreg:s8], $0x7FFFF;
	_ =	strace $0x9000004C  }
0xba: {  	s29 =	simm.s32 $0x9;
	_ =	strace $0x8000004E  }
0xbb: {  	_ =	swait.ge [sflag:s29], $0x1  }
0xbc: {  	[sflag:s29] =	ssyncadd.s32 $0xFFFFFFFF  }
0xbd: {  	_ =	strace $0x9000004E  }
0xbe: {  	_ =	sfence  }
0xbf: {  	s30 =	sld [smem:$0x0];
	_ =	sdelay $0x2  }
0xc0: {  	s31 =	sshll.u32 s1, $0xD;
	s1 =	sshrl.u32 s1, $0x2  }
0xc1: {  	s3 =	sand.u32 $0x4000, s31;
	s1 =	sadd.s32 s1, s30  }
0xc2: {  	s0 =	sor.u32 s3, s0;
	s1 =	sshll.u32 s1, $0x11  }
0xc3: {  	s0 =	sor.u32 s1, s0  }
0xc4: {  	s0 =	sadd.s32 $0x8F2B, s0  }
0xc5: {  	[sflag:s0] =	ssyncadd.remote.s32 $0x1  }
0xc6: {  	_ =	sfence.sel $0xFFFF  }
0xc7: {  	[dreg:$0x0] =	wrdreg $0xFFFFFFFF;
	(pc) =	sbr.abs _section_cstart, $3  }
0xc8: {  	[dreg:$0x1] =	wrdreg $0xFFFFFFFF  }
0xc9: {  	_ =	task.clear_ibuf [dreg:s8], $0x2FFFF;
	_ =	strace $0x9FFFFFFF  }
0xca: {  	(tm) =	ssettm $0x7FFFFFFF  }
0xcb: {  	_ =	shalt  }
tec
execute0_lowered:
.L_overlay_start_1:
0x0: {  	(tag) =	ssettag $0x1  }
0x1: {  	s1 =	rddreg [dreg:$0x0]  }
0x2: {  	s12 =	rddreg [dreg:$0x1]  }
0x3: {  	s2 =	rddreg [dreg:$0x2]  }
0x4: {  	s3 =	rddreg [dreg:$0x3]  }
0x5: {  	s0 =	rddreg [dreg:$0x4];
	s4 =	simm.s32 $0x0  }
0x6: {  	s5 =	stileid.u32;
	s11 =	srdreg.scid;
	s19 =	simm.s32 $0x1400  }
0x7: {  	s20 =	simm.s32 $0x80;
	s21 =	simm.s32 $0x2800;
	s22 =	simm.s32 $0x6800  }
0x8: {  	s23 =	simm.s32 $0x1;
	s24 =	simm.s32 $0x2;
	s25 =	simm.s32 $0x2700  }
0x9: {  	s26 =	simm.s32 $0x2780;
	[smem:$0x7FF] =	sst s4;
	s6 =	sadd.s32 $0x27400, s12  }
0xa: {  	s7 =	sadd.s32 $0x4400, s12;
	s8 =	sadd.s32 $0x1D400, s12;
	s9 =	smul.u32 $0x2800, s5  }
0xb: {  	s10 =	sadd.s32 $0xE400, s12;
	s17 =	sand.u32 $0x1, s11;
	s13 =	smul.u32 $0x50000, s5  }
0xc: {  	s11 =	sadd.s32 $0x77400, s12;
	s31 =	sshll.u32 s5, $0x6;
	_ =	strace $0x8000004D  }
.Ltmp0:
0xd: {  	s15 =	ssub.s32 $0x2, s17;
	p0 =	sne.s32 s17, $0x0;
	(pc) =	sbr.rel .LBB2_1-.Ltmp0, $4  }
0xe: {  	s14 =	sadd.s32 s9, s12;
	s16 =	sshrl.u32 s15, $0x1;
	s13 =	sshrl.u32 s13, $0x2  }
0xf: {  	s12 =	sadd.s32 $0x9F400, s12;
	s16 =	ssub.s32 s15, s16;
	s18 =	sadd.s32 s13, s3  }
0x10: {  	s13 =	sadd.s32 $0x4F400, s14;
	s14 =	sor.u32 $0x1C03, s31;
	s15 =	smul.u32 $0x5000, s5  }
0x11: {  	s16 =	smax.u32 s16, $0x1;
	s17 =	sshrl.u32 s18, $0x3;
	s18 =	simm.s32 $0x3  }
.LBB2_10:
0x12: {  	s4 =	sadd.s32 $0x1, s4  }
0x13: {  	p1 =	sne.s32 s4, s16  }
.Ltmp1:
0x14: {  	s28 =	sadd.s32 s28, s9;
	[bflag:$0x0] =	sbarrier.arrive $0xFFFF;
	(pc) =	sbr.rel @!p1 .LBB2_11-.Ltmp1, $4  }
0x15: {  	[hbm:s28], [sflag:s14] =	dma.local [spmem:s17], $0x2800  }
0x16: {  	_ =	swait.ge [sflag:s18], $0x2800  }
0x17: {  	[sflag:s18] =	ssyncset.done $0x0  }
0x18: {  	[sflag:s18] =	ssyncadd.s32 $0xFFFFD800  }
.LBB2_1:
0x19: {  	[spmem:s17], [sflag:s14] =	dma.local [hbm:s13], $0x2800  }
.Ltmp2:
0x1a: {  	_ =	swait.ge [sflag:s18], $0x2800;
	(pc) =	sbr.rel @p0 .LBB2_6-.Ltmp2, $4  }
0x1b: {  	[sflag:s18] =	ssyncset.done $0x0  }
0x1c: {  	[sflag:s18] =	ssyncadd.s32 $0xFFFFD800  }
0x1d: {  	[bflag:$0x0] =	sbarrier.arrive $0xFFFF  }
0x1e: {  	s28 =	simm.s32 $0x0;
	s29 =	simm.s32 $0x0  }
.LBB2_2:
0x1f: {  	s29 =	smul.u32 $0x1400, s28;
	_ =	sdelay $0x1  }
0x20: {  	s29 =	sadd.s32 s15, s29  }
0x21: {  	s29 =	sshrl.u32 s29, $0x3  }
0x22: {  	s31 =	simm.s32 $0x0;
	s30 =	sadd.s32 s2, s29  }
0x23: {  	[tilespmem:s31], [sflag:$0x3] =	stream.linear.gather [hbm4b:s30+s31], $0x1400, $0x38;
	[tilespmem:$0x1E800] =	vst v63  }
0x24: {  	_ =	swait.ge [sflag:s18], $0x1400  }
0x25: {  	[sflag:s18] =	ssyncset.done $0x0  }
0x26: {  	s29 =	sadd.s32 s7, s29;
	[sflag:s18] =	ssyncadd.s32 $0xFFFFEC00  }
0x27: {  	[tilespmem:s19], [sflag:$0x3] =	stream.linear.gather [hbm4b:s29+s31], $0x1400, $0x38;
	[tilespmem:$0x1E800] =	vst v63  }
0x28: {  	_ =	swait.ge [sflag:s18], $0x1400  }
0x29: {  	[sflag:s18] =	ssyncset.done $0x0  }
0x2a: {  	[sflag:s18] =	ssyncadd.s32 $0xFFFFEC00  }
0x2b: {  	[tilespmem:s21], [sflag:$0x1] =	stream.indirect.gather [hbm4b:s1+s20], $0x80, s31, s20, $0xb8;
	[tilespmem:$0x1E800] =	vst v63  }
0x2c: {  	_ = 	snop  }
0x2d: {  	[tilespmem:s22], [sflag:$0x2] =	stream.indirect.gather [hbm4b:s1+s20], $0x80, s20, s20, $0xb8;
	[tilespmem:$0x1E800] =	vst v63  }
0x2e: {  	_ =	swait.ge [sflag:s23], $0x4000  }
0x2f: {  	[sflag:s23] =	ssyncset.done $0x0  }
0x30: {  	s29 =	simm.s32 $0x1400;
	[sflag:s23] =	ssyncadd.s32 $0xFFFFC000  }
0x31: {  	[spmem:s3] =	stream.indirect.scatter.add.f32 [tilespmem:s21], [sflag:$0x3], $0x80, s29, s20, $0xb8;
	[tilespmem:$0x1E800] =	vst v63  }
0x32: {  	_ =	swait.ge [sflag:s18], $0x4000  }
0x33: {  	[sflag:s18] =	ssyncset.done $0x0  }
0x34: {  	s29 =	simm.s32 $0x100;
	[sflag:s18] =	ssyncadd.s32 $0xFFFFC000  }
0x35: {  	[tilespmem:s21], [sflag:$0x1] =	stream.indirect.gather [hbm4b:s1+s20], $0x80, s29, s20, $0xb8;
	[tilespmem:$0x1E800] =	vst v63  }
0x36: {  	_ =	swait.ge [sflag:s24], $0x4000  }
0x37: {  	[sflag:s24] =	ssyncset.done $0x0  }
0x38: {  	s29 =	simm.s32 $0x1480;
	[sflag:s24] =	ssyncadd.s32 $0xFFFFC000  }
0x39: {  	[spmem:s3] =	stream.indirect.scatter.add.f32 [tilespmem:s22], [sflag:$0x3], $0x80, s29, s20, $0xb8;
	[tilespmem:$0x1E800] =	vst v63  }
0x3a: {  	_ =	swait.ge [sflag:s18], $0x4000  }
0x3b: {  	[sflag:s18] =	ssyncset.done $0x0  }
0x3c: {  	s30 =	simm.s32 $0x180;
	s29 =	simm.s32 $0x400;
	[sflag:s18] =	ssyncadd.s32 $0xFFFFC000  }
.LBB2_3:
0x3d: {  	[tilespmem:s22], [sflag:$0x2] =	stream.indirect.gather [hbm4b:s1+s20], $0x80, s30, s20, $0xb8;
	[tilespmem:$0x1E800] =	vst v63  }
0x3e: {  	s30 =	smov.u32 s29  }
0x3f: {  	p1 =	sne.s32 s29, $0x4800;
	s29 =	sadd.s32 $0x400, s29;
	_ =	swait.ge [sflag:s23], $0x4000  }
0x40: {  	s30 =	sshra.s32 s30, $0x2;
	[sflag:s23] =	ssyncset.done $0x0  }
0x41: {  	s31 =	sadd.s32 $0x1400, s30;
	[sflag:s23] =	ssyncadd.s32 $0xFFFFC000  }
0x42: {  	[spmem:s3] =	stream.indirect.scatter.add.f32 [tilespmem:s21], [sflag:$0x3], $0x80, s31, s20, $0xb8;
	[tilespmem:$0x1E800] =	vst v63  }
0x43: {  	_ =	swait.ge [sflag:s18], $0x4000  }
0x44: {  	[sflag:s18] =	ssyncset.done $0x0  }
0x45: {  	s31 =	sadd.s32 $0x100, s30;
	[sflag:s18] =	ssyncadd.s32 $0xFFFFC000  }
0x46: {  	[tilespmem:s21], [sflag:$0x1] =	stream.indirect.gather [hbm4b:s1+s20], $0x80, s31, s20, $0xb8;
	[tilespmem:$0x1E800] =	vst v63  }
0x47: {  	_ =	swait.ge [sflag:s24], $0x4000  }
0x48: {  	[sflag:s24] =	ssyncset.done $0x0  }
.Ltmp3:
0x49: {  	s31 =	sadd.s32 $0x1480, s30;
	[sflag:s24] =	ssyncadd.s32 $0xFFFFC000;
	(pc) =	sbr.rel @p1 .LBB2_3-.Ltmp3, $4  }
0x4a: {  	[spmem:s3] =	stream.indirect.scatter.add.f32 [tilespmem:s22], [sflag:$0x3], $0x80, s31, s20, $0xb8;
	[tilespmem:$0x1E800] =	vst v63  }
0x4b: {  	_ =	swait.ge [sflag:s18], $0x4000  }
0x4c: {  	[sflag:s18] =	ssyncset.done $0x0  }
0x4d: {  	s30 =	sadd.s32 $0x180, s30;
	[sflag:s18] =	ssyncadd.s32 $0xFFFFC000  }
0x4e: {  	[tilespmem:s22], [sflag:$0x2] =	stream.indirect.gather [hbm4b:s1+s20], $0x80, s30, s20, $0xb8;
	[tilespmem:$0x1E800] =	vst v63  }
0x4f: {  	_ =	swait.ge [sflag:s23], $0x4000  }
0x50: {  	[sflag:s23] =	ssyncset.done $0x0  }
0x51: {  	[sflag:s23] =	ssyncadd.s32 $0xFFFFC000  }
0x52: {  	[spmem:s3] =	stream.indirect.scatter.add.f32 [tilespmem:s21], [sflag:$0x3], $0x80, s25, s20, $0xb8;
	[tilespmem:$0x1E800] =	vst v63  }
0x53: {  	_ =	swait.ge [sflag:s18], $0x4000  }
0x54: {  	[sflag:s18] =	ssyncset.done $0x0  }
0x55: {  	[sflag:s18] =	ssyncadd.s32 $0xFFFFC000  }
0x56: {  	s28 =	sadd.s32 $0x1, s28;
	_ =	swait.ge [sflag:s24], $0x4000  }
0x57: {  	p1 =	seq.s32 s28, $0x4;
	[sflag:s24] =	ssyncset.done $0x0  }
.Ltmp4:
0x58: {  	[sflag:s24] =	ssyncadd.s32 $0xFFFFC000;
	(pc) =	sbr.rel @!p1 .LBB2_2-.Ltmp4, $4  }
0x59: {  	[spmem:s3] =	stream.indirect.scatter.add.f32 [tilespmem:s22], [sflag:$0x3], $0x80, s26, s20, $0xb8;
	[tilespmem:$0x1E800] =	vst v63  }
0x5a: {  	_ =	swait.ge [sflag:s18], $0x4000  }
0x5b: {  	[sflag:s18] =	ssyncset.done $0x0  }
0x5c: {  	[sflag:s18] =	ssyncadd.s32 $0xFFFFC000  }
.Ltmp5:
0x5d: {  	(pc) =	sbr.rel .LBB2_10-.Ltmp5, $2  }
0x5e: {  	_ =	sdelay $0x2  }
0x5f: {  	s28 =	smov.u32 s11  }
.LBB2_6:
0x60: {  	s28 =	smul.u32 $0x1400, s29;
	_ =	sdelay $0x1  }
0x61: {  	s28 =	sadd.s32 s15, s28  }
0x62: {  	s28 =	sshrl.u32 s28, $0x3  }
0x63: {  	s31 =	simm.s32 $0x0;
	s30 =	sadd.s32 s8, s28  }
0x64: {  	[tilespmem:s31], [sflag:$0x3] =	stream.linear.gather [hbm4b:s30+s31], $0x1400, $0x38;
	[tilespmem:$0x1E800] =	vst v63  }
0x65: {  	_ =	swait.ge [sflag:s18], $0x1400  }
0x66: {  	[sflag:s18] =	ssyncset.done $0x0  }
0x67: {  	s28 =	sadd.s32 s10, s28;
	[sflag:s18] =	ssyncadd.s32 $0xFFFFEC00  }
0x68: {  	[tilespmem:s19], [sflag:$0x3] =	stream.linear.gather [hbm4b:s28+s31], $0x1400, $0x38;
	[tilespmem:$0x1E800] =	vst v63  }
0x69: {  	_ =	swait.ge [sflag:s18], $0x1400  }
0x6a: {  	[sflag:s18] =	ssyncset.done $0x0  }
0x6b: {  	[sflag:s18] =	ssyncadd.s32 $0xFFFFEC00  }
0x6c: {  	[tilespmem:s21], [sflag:$0x1] =	stream.indirect.gather [hbm4b:s6+s20], $0x80, s31, s20, $0xb8;
	[tilespmem:$0x1E800] =	vst v63  }
0x6d: {  	_ = 	snop  }
0x6e: {  	[tilespmem:s22], [sflag:$0x2] =	stream.indirect.gather [hbm4b:s6+s20], $0x80, s20, s20, $0xb8;
	[tilespmem:$0x1E800] =	vst v63  }
0x6f: {  	_ =	swait.ge [sflag:s23], $0x4000  }
0x70: {  	[sflag:s23] =	ssyncset.done $0x0  }
0x71: {  	s28 =	simm.s32 $0x1400;
	[sflag:s23] =	ssyncadd.s32 $0xFFFFC000  }
0x72: {  	[spmem:s3] =	stream.indirect.scatter.add.f32 [tilespmem:s21], [sflag:$0x3], $0x80, s28, s20, $0xb8;
	[tilespmem:$0x1E800] =	vst v63  }
0x73: {  	_ =	swait.ge [sflag:s18], $0x4000  }
0x74: {  	[sflag:s18] =	ssyncset.done $0x0  }
0x75: {  	s28 =	simm.s32 $0x100;
	[sflag:s18] =	ssyncadd.s32 $0xFFFFC000  }
0x76: {  	[tilespmem:s21], [sflag:$0x1] =	stream.indirect.gather [hbm4b:s6+s20], $0x80, s28, s20, $0xb8;
	[tilespmem:$0x1E800] =	vst v63  }
0x77: {  	_ =	swait.ge [sflag:s24], $0x4000  }
0x78: {  	[sflag:s24] =	ssyncset.done $0x0  }
0x79: {  	s28 =	simm.s32 $0x1480;
	[sflag:s24] =	ssyncadd.s32 $0xFFFFC000  }
0x7a: {  	[spmem:s3] =	stream.indirect.scatter.add.f32 [tilespmem:s22], [sflag:$0x3], $0x80, s28, s20, $0xb8;
	[tilespmem:$0x1E800] =	vst v63  }
0x7b: {  	_ =	swait.ge [sflag:s18], $0x4000  }
0x7c: {  	[sflag:s18] =	ssyncset.done $0x0  }
0x7d: {  	s30 =	simm.s32 $0x180;
	s28 =	simm.s32 $0x400;
	[sflag:s18] =	ssyncadd.s32 $0xFFFFC000  }
.LBB2_7:
0x7e: {  	[tilespmem:s22], [sflag:$0x2] =	stream.indirect.gather [hbm4b:s6+s20], $0x80, s30, s20, $0xb8;
	[tilespmem:$0x1E800] =	vst v63  }
0x7f: {  	s30 =	smov.u32 s28  }
0x80: {  	p1 =	sne.s32 s28, $0x4800;
	s28 =	sadd.s32 $0x400, s28;
	_ =	swait.ge [sflag:s23], $0x4000  }
0x81: {  	s30 =	sshra.s32 s30, $0x2;
	[sflag:s23] =	ssyncset.done $0x0  }
0x82: {  	s31 =	sadd.s32 $0x1400, s30;
	[sflag:s23] =	ssyncadd.s32 $0xFFFFC000  }
0x83: {  	[spmem:s3] =	stream.indirect.scatter.add.f32 [tilespmem:s21], [sflag:$0x3], $0x80, s31, s20, $0xb8;
	[tilespmem:$0x1E800] =	vst v63  }
0x84: {  	_ =	swait.ge [sflag:s18], $0x4000  }
0x85: {  	[sflag:s18] =	ssyncset.done $0x0  }
0x86: {  	s31 =	sadd.s32 $0x100, s30;
	[sflag:s18] =	ssyncadd.s32 $0xFFFFC000  }
0x87: {  	[tilespmem:s21], [sflag:$0x1] =	stream.indirect.gather [hbm4b:s6+s20], $0x80, s31, s20, $0xb8;
	[tilespmem:$0x1E800] =	vst v63  }
0x88: {  	_ =	swait.ge [sflag:s24], $0x4000  }
0x89: {  	[sflag:s24] =	ssyncset.done $0x0  }
.Ltmp6:
0x8a: {  	s31 =	sadd.s32 $0x1480, s30;
	[sflag:s24] =	ssyncadd.s32 $0xFFFFC000;
	(pc) =	sbr.rel @p1 .LBB2_7-.Ltmp6, $4  }
0x8b: {  	[spmem:s3] =	stream.indirect.scatter.add.f32 [tilespmem:s22], [sflag:$0x3], $0x80, s31, s20, $0xb8;
	[tilespmem:$0x1E800] =	vst v63  }
0x8c: {  	_ =	swait.ge [sflag:s18], $0x4000  }
0x8d: {  	[sflag:s18] =	ssyncset.done $0x0  }
0x8e: {  	s30 =	sadd.s32 $0x180, s30;
	[sflag:s18] =	ssyncadd.s32 $0xFFFFC000  }
0x8f: {  	[tilespmem:s22], [sflag:$0x2] =	stream.indirect.gather [hbm4b:s6+s20], $0x80, s30, s20, $0xb8;
	[tilespmem:$0x1E800] =	vst v63  }
0x90: {  	_ =	swait.ge [sflag:s23], $0x4000  }
0x91: {  	[sflag:s23] =	ssyncset.done $0x0  }
0x92: {  	[sflag:s23] =	ssyncadd.s32 $0xFFFFC000  }
0x93: {  	[spmem:s3] =	stream.indirect.scatter.add.f32 [tilespmem:s21], [sflag:$0x3], $0x80, s25, s20, $0xb8;
	[tilespmem:$0x1E800] =	vst v63  }
0x94: {  	_ =	swait.ge [sflag:s18], $0x4000  }
0x95: {  	[sflag:s18] =	ssyncset.done $0x0  }
0x96: {  	[sflag:s18] =	ssyncadd.s32 $0xFFFFC000  }
0x97: {  	s29 =	sadd.s32 $0x1, s29;
	_ =	swait.ge [sflag:s24], $0x4000  }
0x98: {  	p1 =	sne.s32 s29, $0x4;
	[sflag:s24] =	ssyncset.done $0x0  }
.Ltmp7:
0x99: {  	[sflag:s24] =	ssyncadd.s32 $0xFFFFC000;
	(pc) =	sbr.rel @p1 .LBB2_6-.Ltmp7, $4  }
0x9a: {  	[spmem:s3] =	stream.indirect.scatter.add.f32 [tilespmem:s22], [sflag:$0x3], $0x80, s26, s20, $0xb8;
	[tilespmem:$0x1E800] =	vst v63  }
0x9b: {  	_ =	swait.ge [sflag:s18], $0x4000  }
0x9c: {  	[sflag:s18] =	ssyncset.done $0x0  }
0x9d: {  	[sflag:s18] =	ssyncadd.s32 $0xFFFFC000  }
.Ltmp8:
0x9e: {  	(pc) =	sbr.rel .LBB2_10-.Ltmp8, $2  }
0x9f: {  	_ =	sdelay $0x2  }
0xa0: {  	s28 =	smov.u32 s12  }
.LBB2_11:
0xa1: {  	_ =	sfence.sel $0x180000  }
0xa2: {  	[bflag:$0x0] =	sbarrier.arrive $0xFFFF  }
0xa3: {  	p0 =	sne.s32 s5, $0x0;
	_ =	strace $0x9000004D  }
0xa4: {  	s0 =	sadd.s32 @!p0 $0x100000, s0;
	[bflag:$0x2] =	sbarrier.arrive $0xFFFF  }
0xa5: {  	[sflag:s0] =	ssyncadd.tile.s32 @!p0 $0x1;
	_ =	shalt  }
.Lfunc_end2:
_tile_overlayer_lowered:
.L_overlay_start_2:
0xa6: {  	(tag) =	ssettag $0x2  }
0xa7: {  	s0 =	rddreg [dreg:$0x0];
	s2 =	stileid.u32  }
0xa8: {  	s1 =	rddreg [dreg:$0x1];
	p0 =	sne.s32 s2, $0x0  }
0xa9: {  	s3 =	rddreg [dreg:$0x2];
	[bflag:$0x3] =	sbarrier.arrive $0xFFFF;
	s2 =	simm.s32 @!p0 $0x1C03  }
0xaa: {  	[timem:s3], [sflag:s2] =	dma.local @!p0 [hbm:s0], s1  }
0xab: {  	s0 =	simm.s32 @!p0 $0x3  }
0xac: {  	_ =	swait.ge @!p0 [sflag:s0], s1  }
0xad: {  	s1 =	ssub.s32 @!p0 $0x0, s1;
	[sflag:s0] =	ssyncset.done @!p0 $0x0  }
0xae: {  	[sflag:s0] =	ssyncadd.s32 @!p0 s1  }
0xaf: {  	[bflag:$0x3] =	sbarrier.arrive $0xFFFF  }
0xb0: {  	_ =	shalt  }

// kernel: kernel.8.cloned.1.call-start
scs
__scs_entry_jumppad:
0x0: {  	(pc) =	sbr.rel $0x88, $3  }
0x1: {  	(tag) =	ssettag $0x0;
	lr =	simm.s32 $0x1  }
0x2: {  	[smem:$0x3F94] =	sst lr;
	_ =	strace $0xD0000000  }
0x3: {  	_ = 	snop  }
0x4: {  	_ = 	snop  }
0x5: {  	_ = 	snop  }
0x6: {  	_ = 	snop  }
0x7: {  	_ = 	snop  }
__scs_overlays_trampoline_lowered:
0x8: {  	[smem:$0x3FA3] =	sst s0  }
0x9: {  	[smem:$0x3FA4] =	sst s1  }
0xa: {  	[smem:$0x3FA5] =	sst s2  }
0xb: {  	[smem:$0x3FA6] =	sst s3  }
0xc: {  	[smem:$0x3FA7] =	sst s4  }
0xd: {  	[smem:$0x3FA8] =	sst s5  }
0xe: {  	[smem:$0x3FA9] =	sst s6  }
0xf: {  	[smem:$0x3FAA] =	sst s7  }
0x10: {  	[smem:$0x3FAB] =	sst s8  }
0x11: {  	[smem:$0x3FAC] =	sst s9;
	s0 =	simm.s32 @!p0 $0x0  }
0x12: {  	s1 =	sld [smem:$0x3F92];
	s0 =	simm.s32 @p0 $0x1  }
0x13: {  	[smem:$0x3FAD] =	sst s0;
	s0 =	simm.s32 @!p1 $0x0  }
0x14: {  	s2 =	sld [smem:$0x3F91];
	s0 =	simm.s32 @p1 $0x1  }
0x15: {  	[smem:$0x3FAE] =	sst s0;
	s0 =	simm.s32 @!p2 $0x0  }
0x16: {  	s3 =	sld [smem:$0x3FDB];
	s0 =	simm.s32 @p2 $0x1  }
0x17: {  	s4 =	simm.s32 $0x1BF5;
	[smem:$0x3FB0] =	sst s0  }
0x18: {  	s0 =	sld [smem:$0x3F93];
	_ =	swait.ge [sflag:s4], $0x0  }
0x19: {  	s7 =	sld [smem:$0x3F94]  }
0x1a: {  	s8 =	sadd.s32 $0xFFFFE003, lr  }
0x1b: {  	s9 =	sadd.s32 $0xFFFFFEF7, lr;
	s5 =	simm.s32 $0xFFFFFFFF;
	p2 =	slt.u32 s8, $0xFFFFF086  }
0x1c: {  	p1 =	slt.u32 s9, $0xF7A;
	s5 =	simm.s32 @!p2 $0x0  }
0x1d: {  	s5 =	simm.s32 @p1 $0x1;
	p0 =	seq.s32 s7, s2  }
0x1e: {  	s7 =	smul.u32 @!p0 $0xF7A, s2;
	p2 =	seq.s32 @!p0 s5, $0x0  }
0x1f: {  	s9 =	smul.u32 $0xF7A, s1;
	s8 =	simm.s32 @!p0 $0x1BF5;
	p2 =	por !p2, p0  }
0x20: {  	[sflag:s8] =	ssyncset.s32 @!p0 $0xFFFFF086;
	s6 =	sadd.s32 @!p0 s3, s7;
	s7 =	simm.s32 @!p0 $0x108  }
0x21: {  	s3 =	sadd.s32 s3, s9;
	s6 =	sadd.s32 @!p0 $0x88, s6;
	s7 =	simm.s32 @p2 $0x1082  }
0x22: {  	[simem:s7], [sflag:s8] =	dma.local @!p0 [hbm:s6], $0xF7A  }
0x23: {  	s9 =	sor.u32 $0xD0000000, s2;
	s6 =	simm.s32 $0x108;
	_ =	swait.ge @!p0 [sflag:s8], $0x0  }
0x24: {  	s3 =	sadd.s32 $0x88, s3;
	s6 =	simm.s32 @!p1 $0x1082;
	[sflag:s4] =	ssyncset.s32 $0xFFFFF086  }
0x25: {  	[simem:s6], [sflag:s4] =	dma.local [hbm:s3], $0xF7A  }
0x26: {  	[smem:$0x3F94] =	sst s1;
	(tag) =	ssettag s2;
	_ =	strace s9  }
0x27: {  	s1 =	sld [smem:$0x3FA4]  }
0x28: {  	s2 =	sld [smem:$0x3FA5]  }
0x29: {  	s4 =	sld [smem:$0x3FA7]  }
0x2a: {  	p0 =	seq.s32 s5, $0x0;
	s5 =	sld [smem:$0x3FA8]  }
0x2b: {  	s6 =	sld [smem:$0x3FA9]  }
0x2c: {  	s7 =	sld [smem:$0x3FAA]  }
0x2d: {  	s3 =	simm.s32 $0x108;
	s8 =	sld [smem:$0x3FAB]  }
0x2e: {  	s3 =	simm.s32 @!p0 $0x1082;
	s9 =	sld [smem:$0x3FAC]  }
0x2f: {  	lr =	sadd.s32 s0, s3;
	s0 =	sld [smem:$0x3FA3]  }
0x30: {  	s3 =	sld [smem:$0x3FA6]  }
0x31: {  	[smem:$0x3FAF] =	sst s10  }
0x32: {  	s10 =	sld [smem:$0x3FAD];
	_ =	sdelay $0x3  }
0x33: {  	p0 =	seq.s32 s10, $0x1;
	s10 =	sld [smem:$0x3FAF];
	_ =	sdelay $0x3  }
0x34: {  	[smem:$0x3FAF] =	sst s10  }
0x35: {  	s10 =	sld [smem:$0x3FAE];
	_ =	sdelay $0x3  }
0x36: {  	p1 =	seq.s32 s10, $0x1;
	s10 =	sld [smem:$0x3FAF];
	_ =	sdelay $0x3  }
0x37: {  	[smem:$0x3FAF] =	sst s10  }
0x38: {  	s10 =	sld [smem:$0x3FB0]  }
0x39: {  	_ = 	snop;
	(pc) =	sbr.ind lr, $3  }
0x3a: {  	_ = 	snop  }
0x3b: {  	_ = 	snop  }
0x3c: {  	p2 =	seq.s32 s10, $0x1;
	s10 =	sld [smem:$0x3FAF]  }
0x3d: {  	_ =	shalt  }
0x3e: {  	_ =	shalt  }
0x3f: {  	_ =	shalt  }
0x40: {  	_ =	shalt  }
0x41: {  	_ =	shalt  }
0x42: {  	_ =	shalt  }
0x43: {  	_ =	shalt  }
0x44: {  	_ =	shalt  }
0x45: {  	_ =	shalt  }
0x46: {  	_ =	shalt  }
0x47: {  	_ =	shalt  }
0x48: {  	_ =	shalt  }
0x49: {  	_ =	shalt  }
0x4a: {  	_ =	shalt  }
0x4b: {  	_ =	shalt  }
0x4c: {  	_ =	shalt  }
0x4d: {  	_ =	shalt  }
0x4e: {  	_ =	shalt  }
0x4f: {  	_ =	shalt  }
0x50: {  	_ =	shalt  }
0x51: {  	_ =	shalt  }
0x52: {  	_ =	shalt  }
0x53: {  	_ =	shalt  }
0x54: {  	_ =	shalt  }
0x55: {  	_ =	shalt  }
0x56: {  	_ =	shalt  }
0x57: {  	_ =	shalt  }
0x58: {  	_ =	shalt  }
0x59: {  	_ =	shalt  }
0x5a: {  	_ =	shalt  }
0x5b: {  	_ =	shalt  }
0x5c: {  	_ =	shalt  }
0x5d: {  	_ =	shalt  }
0x5e: {  	_ =	shalt  }
0x5f: {  	_ =	shalt  }
0x60: {  	_ =	shalt  }
0x61: {  	_ =	shalt  }
0x62: {  	_ =	shalt  }
0x63: {  	_ =	shalt  }
0x64: {  	_ =	shalt  }
0x65: {  	_ =	shalt  }
0x66: {  	_ =	shalt  }
0x67: {  	_ =	shalt  }
0x68: {  	_ =	shalt  }
0x69: {  	_ =	shalt  }
0x6a: {  	_ =	shalt  }
0x6b: {  	_ =	shalt  }
0x6c: {  	_ =	shalt  }
0x6d: {  	_ =	shalt  }
0x6e: {  	_ =	shalt  }
0x6f: {  	_ =	shalt  }
0x70: {  	_ =	shalt  }
0x71: {  	_ =	shalt  }
0x72: {  	_ =	shalt  }
0x73: {  	_ =	shalt  }
0x74: {  	_ =	shalt  }
0x75: {  	_ =	shalt  }
0x76: {  	_ =	shalt  }
0x77: {  	_ =	shalt  }
0x78: {  	_ =	shalt  }
0x79: {  	_ =	shalt  }
0x7a: {  	_ =	shalt  }
0x7b: {  	_ =	shalt  }
0x7c: {  	_ =	shalt  }
0x7d: {  	_ =	shalt  }
0x7e: {  	_ =	shalt  }
0x7f: {  	_ =	shalt  }
0x80: {  	_ =	shalt  }
0x81: {  	_ =	shalt  }
0x82: {  	_ =	shalt  }
0x83: {  	_ =	shalt  }
0x84: {  	_ =	shalt  }
0x85: {  	_ =	shalt  }
0x86: {  	_ =	shalt  }
0x87: {  	_ =	shalt  }
.Lfunc_end0:
.L_simem_size_0:
called_computation_lowered:
.L_overlay_start_0:
0x88: {  	s2 =	sld [smem:$0x3FD9]  }
0x89: {  	s3 =	sld [smem:$0x3FFE];
	_ =	sdelay $0x1  }
0x8a: {  	s1 =	srdreg.scid  }
0x8b: {  	s0 =	sand.u32 $0x1, s1  }
0x8c: {  	s14 =	sshll.u32 s0, $0xA;
	s2 =	sadd.s32 s3, s2  }
0x8d: {  	s2 =	sadd.s32 s2, s14  }
0x8e: {  	[smem:$0x3FBB] =	sst s2  }
0x8f: {  	_ = 	snop  }
0x90: {  	s2 =	sld [smem:$0x3FD0];
	_ =	sdelay $0x2  }
0x91: {  	s15 =	simm.s32 $0xA;
	s4 =	simm.s32 $0x10  }
0x92: {  	[smem:s4], [sflag:s15] =	dma.local [hbm:s2], $0x1  }
0x93: {  	_ =	swait.eq [sflag:s15], $0x1  }
0x94: {  	s16 =	sld [smem:$0x11];
	[sflag:s15] =	ssyncset.done $0x0  }
0x95: {  	s17 =	sld [smem:$0x12];
	[sflag:s15] =	ssyncadd.s32 $0xFFFFFFFF  }
0x96: {  	s18 =	sld [smem:$0x13];
	(tm) =	ssettm $0x1  }
0x97: {  	s5 =	sld [smem:$0x3FFB];
	_ =	sdelay $0x3  }
0x98: {  	_ =	strace s5  }
0x99: {  	s5 =	sld [smem:$0x3FFC];
	_ =	sdelay $0x3  }
0x9a: {  	_ =	strace s5  }
0x9b: {  	s5 =	sld [smem:$0x3FFD];
	_ =	sdelay $0x3  }
0x9c: {  	_ =	strace s5  }
0x9d: {  	_ =	strace $0x8FFFFFFF  }
0x9e: {  	s19 =	sld [smem:$0x3FDB];
	_ =	sdelay $0x1  }
0x9f: {  	s6 =	simm.s32 $_scs_section_size  }
0xa0: {  	s7 =	simm.s32 $_size__tile_overlayer_lowered;
	s8 =	simm.s32 $_tile_overlayer_lowered  }
0xa1: {  	s22 =	simm.s32 $0x1BFF;
	s21 =	sshll.u32 s8, $0x1;
	s5 =	sadd.s32 s6, s19  }
0xa2: {  	s9 =	simm.s32 $0x0;
	s20 =	sshll.u32 s7, $0x1;
	s7 =	sadd.s32 s21, s5  }
0xa3: {  	[timem:s9], [sflag:s22] =	dma.local [hbm:s7], s20  }
0xa4: {  	_ =	swait.ge [sflag:s22], s20  }
0xa5: {  	s6 =	ssub.s32 $0x0, s20;
	[sflag:s22] =	ssyncset.done $0x0  }
0xa6: {  	[sflag:s22] =	ssyncadd.s32 s6;
	_ =	sdelay $0x1  }
0xa7: {  	s23 =	simm.s32 $0x1B8B  }
0xa8: {  	_ =	swait.ge [sflag:s23], $0x1  }
0xa9: {  	[sflag:s23] =	ssyncset.done $0x0  }
0xaa: {  	s25 =	simm.s32 $0x1B8E;
	s24 =	sld [smem:$0x3FFE];
	[sflag:s23] =	ssyncadd.s32 $0xFFFFFFFF  }
0xab: {  	s26 =	simm.s32 $execute0_lowered;
	[smem:$0x3FD2] =	sst s25  }
0xac: {  	s7 =	sshll.u32 s26, $0x1;
	_ =	strace $0x80000046;
	[dreg:$0x1] =	wrdreg $0xFFFFFFFF  }
0xad: {  	s28 =	simm.s32 $_size_execute0_lowered;
	s5 =	sadd.s32 s5, s7;
	[dreg:$0x0] =	wrdreg $0x0  }
0xae: {  	s7 =	sshll.u32 s28, $0x1;
	[dreg:$0x2] =	wrdreg s5  }
0xaf: {  	[dreg:$0x3] =	wrdreg s7  }
0xb0: {  	[dreg:$0x4] =	wrdreg $0xC0  }
0xb1: {  	_ =	task [dreg:s9], $0x5FFFF  }
0xb2: {  	[dreg:$0x1] =	wrdreg $0xFFFFFFFF  }
0xb3: {  	[dreg:$0x0] =	wrdreg $0x60  }
0xb4: {  	[dreg:$0x2] =	wrdreg s17  }
0xb5: {  	[dreg:$0x3] =	wrdreg s16  }
0xb6: {  	[dreg:$0x4] =	wrdreg s18  }
0xb7: {  	[dreg:$0x5] =	wrdreg s24  }
0xb8: {  	[dreg:$0x6] =	wrdreg $0x9  }
0xb9: {  	_ =	task.clear_ibuf [dreg:s9], $0x7FFFF;
	_ =	strace $0x90000046  }
0xba: {  	s29 =	simm.s32 $0x9;
	_ =	strace $0x80000048  }
0xbb: {  	_ =	swait.ge [sflag:s29], $0x1  }
0xbc: {  	[sflag:s29] =	ssyncadd.s32 $0xFFFFFFFF  }
0xbd: {  	_ =	strace $0x90000048  }
0xbe: {  	_ =	sfence  }
0xbf: {  	s30 =	sld [smem:$0x0];
	_ =	sdelay $0x2  }
0xc0: {  	s31 =	sshll.u32 s1, $0xD;
	s1 =	sshrl.u32 s1, $0x2  }
0xc1: {  	s3 =	sand.u32 $0x4000, s31;
	s1 =	sadd.s32 s1, s30  }
0xc2: {  	s0 =	sor.u32 s3, s0;
	s1 =	sshll.u32 s1, $0x11  }
0xc3: {  	s0 =	sor.u32 s1, s0  }
0xc4: {  	s0 =	sadd.s32 $0x8F2B, s0  }
0xc5: {  	[sflag:s0] =	ssyncadd.remote.s32 $0x1  }
0xc6: {  	_ =	sfence.sel $0xFFFF  }
0xc7: {  	[dreg:$0x0] =	wrdreg $0xFFFFFFFF;
	(pc) =	sbr.abs _section_cstart, $3  }
0xc8: {  	[dreg:$0x1] =	wrdreg $0xFFFFFFFF  }
0xc9: {  	_ =	task.clear_ibuf [dreg:s9], $0x2FFFF;
	_ =	strace $0x9FFFFFFF  }
0xca: {  	(tm) =	ssettm $0x7FFFFFFF  }
0xcb: {  	_ =	shalt  }
tec
execute0_lowered:
.L_overlay_start_1:
0x0: {  	(tag) =	ssettag $0x1  }
0x1: {  	s5 =	rddreg [dreg:$0x0]  }
0x2: {  	s7 =	rddreg [dreg:$0x1]  }
0x3: {  	s1 =	rddreg [dreg:$0x2]  }
0x4: {  	s4 =	rddreg [dreg:$0x3]  }
0x5: {  	s0 =	rddreg [dreg:$0x4];
	s3 =	simm.s32 $0x0;
	s2 =	stileid.u32  }
0x6: {  	s6 =	srdreg.scid;
	[smem:$0x7FF] =	sst s3  }
0x7: {  	s8 =	sshrl.u32 s2, $0x3;
	s6 =	sand.u32 $0x1, s6;
	s9 =	sshll.u32 s2, $0x7  }
0x8: {  	s4 =	sadd.s32 $0x18400, s4;
	_ =	strace $0x80000047;
	s10 =	smul.u32 $0x28000, s8  }
0x9: {  	s11 =	ssub.s32 $0x2, s6;
	s9 =	sand.u32 $0x380, s9;
	s8 =	smul.u32 $0x14000, s8  }
.Ltmp0:
0xa: {  	p0 =	seq.s32 s6, $0x1;
	s12 =	sshrl.u32 s11, $0x1;
	(pc) =	sbr.rel .LBB2_1-.Ltmp0, $4  }
0xb: {  	s10 =	sor.u32 s9, s10;
	s11 =	ssub.s32 s11, s12;
	s8 =	sor.u32 s9, s8  }
0xc: {  	s9 =	simm.s32 $0x80;
	s12 =	simm.s32 $0x5000;
	s10 =	sshrl.u32 s10, $0x3  }
0xd: {  	s6 =	sshrl.u32 s8, $0x3;
	s8 =	smax.u32 s11, $0x1;
	s11 =	simm.s32 $0x1  }
0xe: {  	v0 =	vimm.f32 $0.0e+00;
	v1 =	vimm.f32 $1.000000000e+00;
	s5 =	sadd.s32 s5, s10;
	s7 =	sadd.s32 s7, s10;
	s10 =	simm.s32 $0x400  }
.LBB2_6:
0xf: {  	v2 =	vld [tilespmem:s14+$0x0];
	_ =	sdelay $0x7  }
0x10: {  	s13 =	smov.u32 s1;
	[tilespmem:v2+s12+$0x0] =	vst.idx.add.f32.msk $0xffff, v1  }
.LBB2_10:
0x11: {  	s3 =	sadd.s32 $0x1, s3  }
0x12: {  	p1 =	sne.s32 s3, s8  }
.Ltmp1:
0x13: {  	s13 =	sadd.s32 s13, s6;
	(pc) =	sbr.rel @!p1 .LBB2_11-.Ltmp1, $4  }
0x14: {  	[hbm4b:s13+s9] =	stream.strided.scatter [tilespmem:s12], [sflag:$0x1], $0x2800, s10, s9, $0x38;
	[tilespmem:$0x7800] =	vst v63  }
0x15: {  	_ =	swait.ge [sflag:s11], $0x2800  }
0x16: {  	[sflag:s11] =	ssyncset.done $0x0  }
0x17: {  	[sflag:s11] =	ssyncadd.s32 $0xFFFFD800  }
.LBB2_1:
0x18: {  	s13 =	simm.s32 $0x40;
	s14 =	simm.s32 $0x0  }
.LBB2_2:
0x19: {  	p1 =	sne.s32 s13, $0x9FC0;
	[tilespmem:s14+$0x5000] =	vst v0;
	s14 =	smov.u32 s13;
	s13 =	sadd.s32 $0x40, s13  }
.Ltmp2:
0x1a: {  	(pc) =	sbr.rel @p1 .LBB2_2-.Ltmp2, $2  }
0x1b: {  	_ =	sdelay $0x2  }
0x1c: {  	s14 =	sshra.s32 s14, $0x2  }
.Ltmp3:
0x1d: {  	(pc) =	sbr.rel @!p0 .LBB2_4-.Ltmp3, $2  }
0x1e: {  	_ =	sdelay $0x2  }
0x1f: {  	[tilespmem:s14+$0x5000] =	vst v0;
	s13 =	simm.s32 $0x0  }
0x20: {  	[tilespmem:s13], [sflag:$0x1] =	stream.strided.gather [hbm4b:s7+s9], $0x5000, s10, s9, $0x38;
	[tilespmem:$0x7800] =	vst v63  }
0x21: {  	_ =	swait.ge [sflag:s11], $0x5000  }
0x22: {  	[sflag:s11] =	ssyncset.done $0x0  }
0x23: {  	s14 =	simm.s32 $0x0;
	s13 =	simm.s32 $0x40;
	[sflag:s11] =	ssyncadd.s32 $0xFFFFB000  }
.LBB2_8:
0x24: {  	p1 =	sne.s32 s13, $0x13FC0;
	v2 =	vld [tilespmem:s14+$0x0];
	_ =	sdelay $0x3  }
.Ltmp4:
0x25: {  	(pc) =	sbr.rel @p1 .LBB2_8-.Ltmp4, $2  }
0x26: {  	_ =	sdelay $0x2  }
0x27: {  	s14 =	sshra.s32 s13, $0x2;
	s13 =	sadd.s32 $0x40, s13;
	[tilespmem:v2+s12+$0x0] =	vst.idx.add.f32.msk $0xffff, v1  }
0x28: {  	v2 =	vld [tilespmem:s14+$0x0];
	_ =	sdelay $0x3  }
.Ltmp5:
0x29: {  	_ = 	snop;
	(pc) =	sbr.rel .LBB2_10-.Ltmp5, $2  }
0x2a: {  	_ =	sdelay $0x2  }
0x2b: {  	s13 =	smov.u32 s4;
	[tilespmem:v2+s12+$0x0] =	vst.idx.add.f32.msk $0xffff, v1  }
.LBB2_4:
0x2c: {  	[tilespmem:s13], [sflag:$0x1] =	stream.strided.gather [hbm4b:s5+s9], $0x5000, s10, s9, $0x38;
	[tilespmem:$0x7800] =	vst v63  }
0x2d: {  	_ =	swait.ge [sflag:s11], $0x5000  }
0x2e: {  	[sflag:s11] =	ssyncset.done $0x0  }
0x2f: {  	s14 =	simm.s32 $0x0;
	s13 =	simm.s32 $0x40;
	[sflag:s11] =	ssyncadd.s32 $0xFFFFB000  }
.LBB2_5:
0x30: {  	p1 =	seq.s32 s13, $0x13FC0;
	v2 =	vld [tilespmem:s14+$0x0];
	_ =	sdelay $0x3  }
.Ltmp6:
0x31: {  	(pc) =	sbr.rel @!p1 .LBB2_5-.Ltmp6, $2  }
0x32: {  	_ =	sdelay $0x2  }
0x33: {  	s14 =	sshra.s32 s13, $0x2;
	s13 =	sadd.s32 $0x40, s13;
	[tilespmem:v2+s12+$0x0] =	vst.idx.add.f32.msk $0xffff, v1  }
.Ltmp7:
0x34: {  	_ = 	snop;
	(pc) =	sbr.rel .LBB2_6-.Ltmp7, $1  }
0x35: {  	_ =	sdelay $0x3  }
.LBB2_11:
0x36: {  	_ =	sfence.sel $0x180000  }
0x37: {  	[bflag:$0x0] =	sbarrier.arrive $0xFFFF  }
0x38: {  	p0 =	sne.s32 s2, $0x0;
	_ =	strace $0x90000047  }
0x39: {  	s0 =	sadd.s32 @!p0 $0x100000, s0;
	[bflag:$0x2] =	sbarrier.arrive $0xFFFF  }
0x3a: {  	[sflag:s0] =	ssyncadd.tile.s32 @!p0 $0x1;
	_ =	shalt  }
.Lfunc_end2:
_tile_overlayer_lowered:
.L_overlay_start_2:
0x3b: {  	(tag) =	ssettag $0x2  }
0x3c: {  	s0 =	rddreg [dreg:$0x0];
	s2 =	stileid.u32  }
0x3d: {  	s1 =	rddreg [dreg:$0x1];
	p0 =	sne.s32 s2, $0x0  }
0x3e: {  	s3 =	rddreg [dreg:$0x2];
	[bflag:$0x3] =	sbarrier.arrive $0xFFFF;
	s2 =	simm.s32 @!p0 $0x1C01  }
0x3f: {  	[timem:s3], [sflag:s2] =	dma.local @!p0 [hbm:s0], s1  }
0x40: {  	s0 =	simm.s32 @!p0 $0x1  }
0x41: {  	_ =	swait.ge @!p0 [sflag:s0], s1  }
0x42: {  	s1 =	ssub.s32 @!p0 $0x0, s1;
	[sflag:s0] =	ssyncset.done @!p0 $0x0  }
0x43: {  	[sflag:s0] =	ssyncadd.s32 @!p0 s1  }
0x44: {  	[bflag:$0x3] =	sbarrier.arrive $0xFFFF  }
0x45: {  	_ =	shalt  }

</sc_bundles>
